<compile_context>
chip_gen: v7x
topology: tpu7x:2x2x1
jax: 0.10.2.dev20260603
libtpu: 0.0.44.dev20260713+nightly
codegen_flags: <defaults>
</compile_context>

<pallas_src>
import functools

import jax
import jax.numpy as jnp
from jax import lax
from jax.experimental import pallas as pl
from jax.experimental.pallas import tpu as pltpu
from jax.experimental.pallas import tpu_sc as plsc

N = 10000
E = 320000
D = 128
NC = 2
NS = 16
NW = NC * NS
CH = 128
EPT = E // NW
NCHK = (EPT + CH - 1) // CH
EPT_PAD = NCHK * CH
NP = 10016
AP = 10240
RPT = AP // NS


def _tc_matmul_body(x_ref, w_ref, o_ref):
    o_ref[...] = jnp.dot(x_ref[...], w_ref[...],
                         preferred_element_type=jnp.float32)


def _tc_matmul(x, w, interpret=False):
    n, d = x.shape
    k = w.shape[1]
    blk = 400
    grid = n // blk
    return pl.pallas_call(
        _tc_matmul_body,
        interpret=interpret,
        grid=(grid,),
        in_specs=[
            pl.BlockSpec((blk, d), lambda i: (i, 0)),
            pl.BlockSpec((d, k), lambda i: (0, 0)),
        ],
        out_specs=pl.BlockSpec((blk, k), lambda i: (i, 0)),
        out_shape=jax.ShapeDtypeStruct((n, k), jnp.float32),
    )(x, w)


def _sc_agg_body(with_cnt, *refs):
    if with_cnt:
        (ys, srcb, dstb, zrow, zcnt, aggs, cnt_out,
         idxg, idxs, rows_v, cnt_v, cbuf, res, acc_sh, cnt_all,
         gsem, ssem) = refs
    else:
        (ys, srcb, dstb, zrow, aggs,
         idxg, idxs, rows_v, acc_sh,
         gsem, ssem) = refs

    c = lax.axis_index("c")
    s = lax.axis_index("s")

    pltpu.sync_copy(zrow, acc_sh.at[pl.ds(s * RPT, RPT)])
    if with_cnt:
        pltpu.sync_copy(zcnt, cnt_v)
    plsc.subcore_barrier()

    ones = jnp.full((16,), 1.0, jnp.float32)

    def chunk(j, carry):
        pltpu.sync_copy(srcb.at[c, s, j], idxg)
        pltpu.sync_copy(dstb.at[c, s, j], idxs)
        pltpu.async_copy(ys.at[idxg], rows_v, gsem).wait()
        pltpu.async_copy(rows_v, acc_sh.at[idxs], ssem, add=True).wait()
        if with_cnt:
            for k in range(CH // 16):
                d16 = idxs[pl.ds(k * 16, 16)]
                plsc.addupdate_scatter(cnt_v, [d16], ones)
        return carry

    lax.fori_loop(0, NCHK, chunk, 0, unroll=False)

    if with_cnt:
        for t in range(NS):
            pltpu.sync_copy(cnt_v.at[pl.ds(t * RPT, RPT)], cnt_all.at[t, s])

    plsc.subcore_barrier()

    if with_cnt:
        pltpu.sync_copy(cnt_all.at[s], cbuf)

        def rbody(v, carry):
            acc = cbuf[0, pl.ds(v * 16, 16)]
            for t in range(1, NS):
                acc = acc + cbuf[t, pl.ds(v * 16, 16)]
            res[pl.ds(v * 16, 16)] = acc
            return carry

        lax.fori_loop(0, RPT // 16, rbody, 0, unroll=False)
        pltpu.sync_copy(res, cnt_out.at[pl.ds(c * AP + s * RPT, RPT)])

    pltpu.sync_copy(acc_sh.at[pl.ds(s * RPT, RPT)],
                    aggs.at[pl.ds(c * AP + s * RPT, RPT)])


def _sc_agg(ys, srcb, dstb, zrow, zcnt, with_cnt, interpret=False):
    mesh = plsc.VectorSubcoreMesh(core_axis_name="c", subcore_axis_name="s",
                                  num_cores=NC, num_subcores=NS)
    out_type = [jax.ShapeDtypeStruct((NC * AP, D), jnp.float32)]
    scratch = [
        pltpu.VMEM((CH,), jnp.int32),
        pltpu.VMEM((CH,), jnp.int32),
        pltpu.VMEM((CH, D), jnp.float32),
    ]
    if with_cnt:
        out_type.append(jax.ShapeDtypeStruct((NC * AP,), jnp.float32))
        scratch += [
            pltpu.VMEM((AP,), jnp.float32),
            pltpu.VMEM((NS, RPT), jnp.float32),
            pltpu.VMEM((RPT,), jnp.float32),
        ]
    scratch += [
        pltpu.VMEM_SHARED((AP, D), jnp.float32),
    ]
    if with_cnt:
        scratch.append(pltpu.VMEM_SHARED((NS, NS, RPT), jnp.float32))
    scratch += [pltpu.SemaphoreType.DMA, pltpu.SemaphoreType.DMA]

    if with_cnt:
        args = (ys, srcb, dstb, zrow, zcnt)
    else:
        args = (ys, srcb, dstb, zrow)

    kfn = pl.kernel(
        functools.partial(_sc_agg_body, with_cnt),
        out_type=out_type,
        mesh=mesh,
        scratch_types=scratch,
        compiler_params=pltpu.CompilerParams(needs_layout_passes=False),
        interpret=interpret,
    )
    return kfn(*args)


@jax.jit
def kernel(x, edge_index, Wl1, Wr1, b1, Wl2, Wr2, b2):
    src = edge_index[0]
    dst = edge_index[1]

    pad = jnp.full((NW, EPT_PAD - EPT), N, jnp.int32)
    srcb = jnp.concatenate([src.reshape(NW, EPT), pad],
                           axis=1).reshape(NC, NS, NCHK, CH)
    dstb = jnp.concatenate([dst.reshape(NW, EPT), pad],
                           axis=1).reshape(NC, NS, NCHK, CH)
    zrow = jnp.zeros((RPT, D), jnp.float32)
    zcnt = jnp.zeros((AP,), jnp.float32)

    wcat1 = jnp.concatenate([Wl1.T, Wr1.T], axis=1)
    wcat2 = jnp.concatenate([Wl2.T, Wr2.T], axis=1)

    def padrows(xl):
        return jnp.pad(xl, ((0, NP - N), (0, 0)))

    o1 = _tc_matmul(x, wcat1)
    xl1, z1 = o1[:, :D], o1[:, D:] + b1
    aggs1, cnt2 = _sc_agg(padrows(xl1), srcb, dstb, zrow, zcnt, True)
    agg1 = aggs1[:N] + aggs1[AP:AP + N]
    cnt = cnt2[:N] + cnt2[AP:AP + N]
    inv = 1.0 / jnp.maximum(cnt, 1.0)
    h = jax.nn.relu(agg1 * inv[:, None] + z1)

    o2 = _tc_matmul(h, wcat2)
    xl2, z2 = o2[:, :D], o2[:, D:] + b2
    aggs2 = _sc_agg(padrows(xl2), srcb, dstb, zrow, zcnt, False)[0]
    agg2 = aggs2[:N] + aggs2[AP:AP + N]
    return agg2 * inv[:, None] + z2

# --- scband reference (transcript-rebuilt; emitter-appended) ---
"""Pipeline reference for scband-gnn-33569464385600 (READ-ONLY COPY).

The authoritative reference and input builder live on the scoring server;
editing this copy changes nothing except your own understanding.
"""

import jax, jax.numpy as jnp
import numpy as np

N = 10000
E = 320000
D = 128


def setup_inputs(seed: int = 0) -> dict:
    key = jax.random.key(seed)
    ks = jax.random.split(key, 8)
    x = jax.random.normal(ks[0], (N, D), dtype=jnp.float32)
    edge_index = jax.random.randint(ks[1], (2, E), 0, N, dtype=jnp.int32)
    s = 1.0 / np.sqrt(D)
    Wl1 = jax.random.uniform(ks[2], (D, D), dtype=jnp.float32, minval=-s, maxval=s)
    Wr1 = jax.random.uniform(ks[3], (D, D), dtype=jnp.float32, minval=-s, maxval=s)
    b1 = jnp.zeros((D,), dtype=jnp.float32)
    Wl2 = jax.random.uniform(ks[4], (D, D), dtype=jnp.float32, minval=-s, maxval=s)
    Wr2 = jax.random.uniform(ks[5], (D, D), dtype=jnp.float32, minval=-s, maxval=s)
    b2 = jnp.zeros((D,), dtype=jnp.float32)
    return {"x": x, "edge_index": edge_index, "Wl1": Wl1, "Wr1": Wr1, "b1": b1, "Wl2": Wl2, "Wr2": Wr2, "b2": b2}


def _sage_conv(x, edge_index, Wl, Wr, b):
    # PyG SAGEConv (aggr='mean'): out = lin_l(mean_j x_j) + lin_r(x)
    src = edge_index[0]
    dst = edge_index[1]
    msg = jnp.take(x, src, axis=0)                      # gather neighbor features
    agg = jax.ops.segment_sum(msg, dst, num_segments=N)  # scatter-add by dst
    cnt = jax.ops.segment_sum(jnp.ones((msg.shape[0], 1), dtype=x.dtype), dst, num_segments=N)
    mean = agg / jnp.maximum(cnt, 1.0)
    return mean @ Wl.T + x @ Wr.T + b


def reference(x, edge_index, Wl1, Wr1, b1, Wl2, Wr2, b2):
    h = jax.nn.relu(_sage_conv(x, edge_index, Wl1, Wr1, b1))
    out = _sage_conv(h, edge_index, Wl2, Wr2, b2)
    return out

if __name__ == "__main__":
    import jax
    _d = setup_inputs()
    print(jax.jit(kernel)(*tuple(_d.values())))

</pallas_src>

<mosaic_0001>
#map = affine_map<(d0, d1) -> (0, 0)>
#map1 = affine_map<(d0, d1) -> (0, 0, 0, 0)>
#map2 = affine_map<(d0, d1) -> (0)>
module attributes {stable_mosaic.version = 14 : i64} {
  func.func @_sc_agg_body(%arg0: i32, %arg1: i32, %arg2: memref<10016x128xf32, #tpu.memory_space<hbm>>, %arg3: memref<2x16x79x128xi32, #tpu.memory_space<hbm>>, %arg4: memref<2x16x79x128xi32, #tpu.memory_space<hbm>>, %arg5: memref<640x128xf32, #tpu.memory_space<hbm>>, %arg6: memref<10240xf32, #tpu.memory_space<hbm>>, %arg7: memref<20480x128xf32, #tpu.memory_space<hbm>>, %arg8: memref<20480xf32, #tpu.memory_space<hbm>>, %arg9: memref<128xi32, #tpu.memory_space<vmem>>, %arg10: memref<128xi32, #tpu.memory_space<vmem>>, %arg11: memref<128x128xf32, #tpu.memory_space<vmem>>, %arg12: memref<10240xf32, #tpu.memory_space<vmem>>, %arg13: memref<16x640xf32, #tpu.memory_space<vmem>>, %arg14: memref<640xf32, #tpu.memory_space<vmem>>, %arg15: memref<10240x128xf32, #tpu.memory_space<vmem_shared>>, %arg16: memref<16x16x640xf32, #tpu.memory_space<vmem_shared>>, %arg17: memref<!tpu.dma_semaphore, #tpu.memory_space<semaphore_mem>>, %arg18: memref<!tpu.dma_semaphore, #tpu.memory_space<semaphore_mem>>) attributes {dimension_semantics = [#tpu.dimension_semantics<core_parallel>, #tpu.dimension_semantics<subcore_parallel>], iteration_bounds = array<i64: 2, 16>, scalar_prefetch = 0 : i64, scratch_operands = 10 : i64, tpu.core_type = #tpu.core_type<sc_vector_subcore>, window_params = [{transform_indices = #map}, {transform_indices = #map1}, {transform_indices = #map1}, {transform_indices = #map}, {transform_indices = #map2}, {transform_indices = #map}, {transform_indices = #map2}]} {
    %mul3A = arith.constant 640 : i32
    %mul3A_0 = arith.muli %arg1, %mul3A : i32
    "tpu.region"() ({
      %run_scoped3A_40 = tpu.sem_alloc : memref<!tpu.dma_semaphore, #tpu.memory_space<semaphore_mem>>
      %dma_start3A = arith.constant 0 : i32
      %dma_start3A_41 = tpu.memref_slice %arg15[%mul3A_0, %dma_start3A] : memref<10240x128xf32, #tpu.memory_space<vmem_shared>> -> memref<640x128xf32, #tpu.memory_space<vmem_shared>>
      tpu.enqueue_dma source(%arg5 : memref<640x128xf32, #tpu.memory_space<hbm>>) target(%dma_start3A_41 : memref<640x128xf32, #tpu.memory_space<vmem_shared>>) target_semaphore(%run_scoped3A_40 : memref<!tpu.dma_semaphore, #tpu.memory_space<semaphore_mem>>)
      %dma_wait3A = arith.constant 0 : i32
      %dma_wait3A_42 = tpu.memref_slice %arg15[%mul3A_0, %dma_wait3A] : memref<10240x128xf32, #tpu.memory_space<vmem_shared>> -> memref<640x128xf32, #tpu.memory_space<vmem_shared>>
      tpu.wait_dma2 semaphore(%run_scoped3A_40 : memref<!tpu.dma_semaphore, #tpu.memory_space<semaphore_mem>>) src(%arg5 : memref<640x128xf32, #tpu.memory_space<hbm>>) dst(%dma_wait3A_42 : memref<640x128xf32, #tpu.memory_space<vmem_shared>>)
      tpu.yield
    }) : () -> ()
    "tpu.region"() ({
      %run_scoped3A_40 = tpu.sem_alloc : memref<!tpu.dma_semaphore, #tpu.memory_space<semaphore_mem>>
      tpu.enqueue_dma source(%arg6 : memref<10240xf32, #tpu.memory_space<hbm>>) target(%arg12 : memref<10240xf32, #tpu.memory_space<vmem>>) target_semaphore(%run_scoped3A_40 : memref<!tpu.dma_semaphore, #tpu.memory_space<semaphore_mem>>)
      tpu.wait_dma2 semaphore(%run_scoped3A_40 : memref<!tpu.dma_semaphore, #tpu.memory_space<semaphore_mem>>) src(%arg6 : memref<10240xf32, #tpu.memory_space<hbm>>) dst(%arg12 : memref<10240xf32, #tpu.memory_space<vmem>>)
      tpu.yield
    }) : () -> ()
    %barrier3A = arith.constant 0 : index
    tpu.barrier barrier_id(%barrier3A)
    %broadcast_in_dim3A = arith.constant 1.000000e+00 : f32
    %broadcast_in_dim3A_1 = vector.broadcast %broadcast_in_dim3A : f32 to vector<16xf32>
    %scan3A = arith.constant 0 : i32
    %scan3A_2 = arith.constant 0 : i32
    %scan3A_3 = arith.constant 79 : i32
    %scan3A_4 = arith.addi %scan3A_2, %scan3A_3 : i32
    %scan3A_5 = arith.constant 1 : i32
    scf.for %scan3A_40 = %scan3A_2 to %scan3A_4 step %scan3A_5  : i32 {
      "tpu.region"() ({
        %run_scoped3A_66 = tpu.sem_alloc : memref<!tpu.dma_semaphore, #tpu.memory_space<semaphore_mem>>
        %dma_start3A_67 = arith.constant 0 : i32
        %dma_start3A_68 = tpu.memref_slice %arg3[%arg0, %arg1, %scan3A_40, %dma_start3A_67] : memref<2x16x79x128xi32, #tpu.memory_space<hbm>> -> memref<1x1x1x128xi32, #tpu.memory_space<hbm>>
        %dma_start3A_69 = tpu.memref_squeeze %dma_start3A_68 : memref<1x1x1x128xi32, #tpu.memory_space<hbm>> -> memref<128xi32, #tpu.memory_space<hbm>>
        %dma_start3A_70 = arith.constant 0 : i32
        %dma_start3A_71 = tpu.memref_slice %arg3[%arg0, %arg1, %scan3A_40, %dma_start3A_70] : memref<2x16x79x128xi32, #tpu.memory_space<hbm>> -> memref<1x1x1x128xi32, #tpu.memory_space<hbm>>
        %dma_start3A_72 = tpu.memref_squeeze %dma_start3A_71 : memref<1x1x1x128xi32, #tpu.memory_space<hbm>> -> memref<128xi32, #tpu.memory_space<hbm>>
        tpu.enqueue_dma source(%dma_start3A_72 : memref<128xi32, #tpu.memory_space<hbm>>) target(%arg9 : memref<128xi32, #tpu.memory_space<vmem>>) target_semaphore(%run_scoped3A_66 : memref<!tpu.dma_semaphore, #tpu.memory_space<semaphore_mem>>)
        %dma_wait3A_73 = arith.constant 0 : i32
        %dma_wait3A_74 = tpu.memref_slice %arg3[%arg0, %arg1, %scan3A_40, %dma_wait3A_73] : memref<2x16x79x128xi32, #tpu.memory_space<hbm>> -> memref<1x1x1x128xi32, #tpu.memory_space<hbm>>
        %dma_wait3A_75 = tpu.memref_squeeze %dma_wait3A_74 : memref<1x1x1x128xi32, #tpu.memory_space<hbm>> -> memref<128xi32, #tpu.memory_space<hbm>>
        %dma_wait3A_76 = arith.constant 0 : i32
        %dma_wait3A_77 = tpu.memref_slice %arg3[%arg0, %arg1, %scan3A_40, %dma_wait3A_76] : memref<2x16x79x128xi32, #tpu.memory_space<hbm>> -> memref<1x1x1x128xi32, #tpu.memory_space<hbm>>
        %dma_wait3A_78 = tpu.memref_squeeze %dma_wait3A_77 : memref<1x1x1x128xi32, #tpu.memory_space<hbm>> -> memref<128xi32, #tpu.memory_space<hbm>>
        tpu.wait_dma2 semaphore(%run_scoped3A_66 : memref<!tpu.dma_semaphore, #tpu.memory_space<semaphore_mem>>) src(%dma_wait3A_78 : memref<128xi32, #tpu.memory_space<hbm>>) dst(%arg9 : memref<128xi32, #tpu.memory_space<vmem>>)
        tpu.yield
      }) : () -> ()
      "tpu.region"() ({
        %run_scoped3A_66 = tpu.sem_alloc : memref<!tpu.dma_semaphore, #tpu.memory_space<semaphore_mem>>
        %dma_start3A_67 = arith.constant 0 : i32
        %dma_start3A_68 = tpu.memref_slice %arg4[%arg0, %arg1, %scan3A_40, %dma_start3A_67] : memref<2x16x79x128xi32, #tpu.memory_space<hbm>> -> memref<1x1x1x128xi32, #tpu.memory_space<hbm>>
        %dma_start3A_69 = tpu.memref_squeeze %dma_start3A_68 : memref<1x1x1x128xi32, #tpu.memory_space<hbm>> -> memref<128xi32, #tpu.memory_space<hbm>>
        %dma_start3A_70 = arith.constant 0 : i32
        %dma_start3A_71 = tpu.memref_slice %arg4[%arg0, %arg1, %scan3A_40, %dma_start3A_70] : memref<2x16x79x128xi32, #tpu.memory_space<hbm>> -> memref<1x1x1x128xi32, #tpu.memory_space<hbm>>
        %dma_start3A_72 = tpu.memref_squeeze %dma_start3A_71 : memref<1x1x1x128xi32, #tpu.memory_space<hbm>> -> memref<128xi32, #tpu.memory_space<hbm>>
        tpu.enqueue_dma source(%dma_start3A_72 : memref<128xi32, #tpu.memory_space<hbm>>) target(%arg10 : memref<128xi32, #tpu.memory_space<vmem>>) target_semaphore(%run_scoped3A_66 : memref<!tpu.dma_semaphore, #tpu.memory_space<semaphore_mem>>)
        %dma_wait3A_73 = arith.constant 0 : i32
        %dma_wait3A_74 = tpu.memref_slice %arg4[%arg0, %arg1, %scan3A_40, %dma_wait3A_73] : memref<2x16x79x128xi32, #tpu.memory_space<hbm>> -> memref<1x1x1x128xi32, #tpu.memory_space<hbm>>
        %dma_wait3A_75 = tpu.memref_squeeze %dma_wait3A_74 : memref<1x1x1x128xi32, #tpu.memory_space<hbm>> -> memref<128xi32, #tpu.memory_space<hbm>>
        %dma_wait3A_76 = arith.constant 0 : i32
        %dma_wait3A_77 = tpu.memref_slice %arg4[%arg0, %arg1, %scan3A_40, %dma_wait3A_76] : memref<2x16x79x128xi32, #tpu.memory_space<hbm>> -> memref<1x1x1x128xi32, #tpu.memory_space<hbm>>
        %dma_wait3A_78 = tpu.memref_squeeze %dma_wait3A_77 : memref<1x1x1x128xi32, #tpu.memory_space<hbm>> -> memref<128xi32, #tpu.memory_space<hbm>>
        tpu.wait_dma2 semaphore(%run_scoped3A_66 : memref<!tpu.dma_semaphore, #tpu.memory_space<semaphore_mem>>) src(%dma_wait3A_78 : memref<128xi32, #tpu.memory_space<hbm>>) dst(%arg10 : memref<128xi32, #tpu.memory_space<vmem>>)
        tpu.yield
      }) : () -> ()
      %dma_start3A = arith.constant 0 : i32
      %dma_start3A_41 = arith.constant 0 : i32
      %dma_start3A_42 = tpu.memref_slice %arg2[%dma_start3A, %dma_start3A_41] : memref<10016x128xf32, #tpu.memory_space<hbm>> -> memref<10016x128xf32, #tpu.memory_space<hbm>>
      tpu.enqueue_indirect_dma source(%dma_start3A_42 : memref<10016x128xf32, #tpu.memory_space<hbm>>) target(%arg11 : memref<128x128xf32, #tpu.memory_space<vmem>>) offsets(%arg9 : memref<128xi32, #tpu.memory_space<vmem>>) semaphore(%arg17 : memref<!tpu.dma_semaphore, #tpu.memory_space<semaphore_mem>>)
      %dma_wait3A = arith.constant 0 : i32
      %dma_wait3A_43 = arith.constant 0 : i32
      %dma_wait3A_44 = tpu.memref_slice %arg2[%dma_wait3A, %dma_wait3A_43] : memref<10016x128xf32, #tpu.memory_space<hbm>> -> memref<10016x128xf32, #tpu.memory_space<hbm>>
      tpu.wait_indirect_dma semaphore(%arg17 : memref<!tpu.dma_semaphore, #tpu.memory_space<semaphore_mem>>) src(%dma_wait3A_44 : memref<10016x128xf32, #tpu.memory_space<hbm>>) dst(%arg11 : memref<128x128xf32, #tpu.memory_space<vmem>>)
      %dma_start3A_45 = arith.constant 0 : i32
      %dma_start3A_46 = arith.constant 0 : i32
      %dma_start3A_47 = tpu.memref_slice %arg15[%dma_start3A_45, %dma_start3A_46] : memref<10240x128xf32, #tpu.memory_space<vmem_shared>> -> memref<10240x128xf32, #tpu.memory_space<vmem_shared>>
      tpu.enqueue_indirect_dma source(%arg11 : memref<128x128xf32, #tpu.memory_space<vmem>>) target(%dma_start3A_47 : memref<10240x128xf32, #tpu.memory_space<vmem_shared>>) offsets(%arg10 : memref<128xi32, #tpu.memory_space<vmem>>) semaphore(%arg18 : memref<!tpu.dma_semaphore, #tpu.memory_space<semaphore_mem>>) {add = true}
      %dma_wait3A_48 = arith.constant 0 : i32
      %dma_wait3A_49 = arith.constant 0 : i32
      %dma_wait3A_50 = tpu.memref_slice %arg15[%dma_wait3A_48, %dma_wait3A_49] : memref<10240x128xf32, #tpu.memory_space<vmem_shared>> -> memref<10240x128xf32, #tpu.memory_space<vmem_shared>>
      tpu.wait_indirect_dma semaphore(%arg18 : memref<!tpu.dma_semaphore, #tpu.memory_space<semaphore_mem>>) src(%arg11 : memref<128x128xf32, #tpu.memory_space<vmem>>) dst(%dma_wait3A_50 : memref<10240x128xf32, #tpu.memory_space<vmem_shared>>)
      %get3A = arith.constant 0 : index
      %get3A_51 = tpu.vector_load %arg10[%get3A] {strides = array<i32>} : memref<128xi32, #tpu.memory_space<vmem>>, vector<16xi32>,
      tpu.vector_store_idx %arg12[%get3A_51], %broadcast_in_dim3A_1 {add = true} : memref<10240xf32, #tpu.memory_space<vmem>>[vector<16xi32>], vector<16xf32>,
      %get3A_52 = arith.constant 16 : index
      %get3A_53 = tpu.vector_load %arg10[%get3A_52] {strides = array<i32>} : memref<128xi32, #tpu.memory_space<vmem>>, vector<16xi32>,
      tpu.vector_store_idx %arg12[%get3A_53], %broadcast_in_dim3A_1 {add = true} : memref<10240xf32, #tpu.memory_space<vmem>>[vector<16xi32>], vector<16xf32>,
      %get3A_54 = arith.constant 32 : index
      %get3A_55 = tpu.vector_load %arg10[%get3A_54] {strides = array<i32>} : memref<128xi32, #tpu.memory_space<vmem>>, vector<16xi32>,
      tpu.vector_store_idx %arg12[%get3A_55], %broadcast_in_dim3A_1 {add = true} : memref<10240xf32, #tpu.memory_space<vmem>>[vector<16xi32>], vector<16xf32>,
      %get3A_56 = arith.constant 48 : index
      %get3A_57 = tpu.vector_load %arg10[%get3A_56] {strides = array<i32>} : memref<128xi32, #tpu.memory_space<vmem>>, vector<16xi32>,
      tpu.vector_store_idx %arg12[%get3A_57], %broadcast_in_dim3A_1 {add = true} : memref<10240xf32, #tpu.memory_space<vmem>>[vector<16xi32>], vector<16xf32>,
      %get3A_58 = arith.constant 64 : index
      %get3A_59 = tpu.vector_load %arg10[%get3A_58] {strides = array<i32>} : memref<128xi32, #tpu.memory_space<vmem>>, vector<16xi32>,
      tpu.vector_store_idx %arg12[%get3A_59], %broadcast_in_dim3A_1 {add = true} : memref<10240xf32, #tpu.memory_space<vmem>>[vector<16xi32>], vector<16xf32>,
      %get3A_60 = arith.constant 80 : index
      %get3A_61 = tpu.vector_load %arg10[%get3A_60] {strides = array<i32>} : memref<128xi32, #tpu.memory_space<vmem>>, vector<16xi32>,
      tpu.vector_store_idx %arg12[%get3A_61], %broadcast_in_dim3A_1 {add = true} : memref<10240xf32, #tpu.memory_space<vmem>>[vector<16xi32>], vector<16xf32>,
      %get3A_62 = arith.constant 96 : index
      %get3A_63 = tpu.vector_load %arg10[%get3A_62] {strides = array<i32>} : memref<128xi32, #tpu.memory_space<vmem>>, vector<16xi32>,
      tpu.vector_store_idx %arg12[%get3A_63], %broadcast_in_dim3A_1 {add = true} : memref<10240xf32, #tpu.memory_space<vmem>>[vector<16xi32>], vector<16xf32>,
      %get3A_64 = arith.constant 112 : index
      %get3A_65 = tpu.vector_load %arg10[%get3A_64] {strides = array<i32>} : memref<128xi32, #tpu.memory_space<vmem>>, vector<16xi32>,
      tpu.vector_store_idx %arg12[%get3A_65], %broadcast_in_dim3A_1 {add = true} : memref<10240xf32, #tpu.memory_space<vmem>>[vector<16xi32>], vector<16xf32>,
    }
    %scan3A_6 = arith.constant 79 : i32
    %run_scoped3A = arith.constant 0 : i32
    "tpu.region"() ({
      %run_scoped3A_40 = tpu.sem_alloc : memref<!tpu.dma_semaphore, #tpu.memory_space<semaphore_mem>>
      %dma_start3A = arith.constant 0 : i32
      %dma_start3A_41 = tpu.memref_slice %arg12[%dma_start3A] : memref<10240xf32, #tpu.memory_space<vmem>> -> memref<640xf32, #tpu.memory_space<vmem>>
      %dma_start3A_42 = arith.constant 0 : i32
      %dma_start3A_43 = tpu.memref_slice %arg16[%run_scoped3A, %arg1, %dma_start3A_42] : memref<16x16x640xf32, #tpu.memory_space<vmem_shared>> -> memref<1x1x640xf32, #tpu.memory_space<vmem_shared>>
      %dma_start3A_44 = tpu.memref_squeeze %dma_start3A_43 : memref<1x1x640xf32, #tpu.memory_space<vmem_shared>> -> memref<640xf32, #tpu.memory_space<vmem_shared>>
      %dma_start3A_45 = arith.constant 0 : i32
      %dma_start3A_46 = tpu.memref_slice %arg16[%run_scoped3A, %arg1, %dma_start3A_45] : memref<16x16x640xf32, #tpu.memory_space<vmem_shared>> -> memref<1x1x640xf32, #tpu.memory_space<vmem_shared>>
      %dma_start3A_47 = tpu.memref_squeeze %dma_start3A_46 : memref<1x1x640xf32, #tpu.memory_space<vmem_shared>> -> memref<640xf32, #tpu.memory_space<vmem_shared>>
      %dma_start3A_48 = arith.constant 0 : i32
      %dma_start3A_49 = tpu.memref_slice %arg12[%dma_start3A_48] : memref<10240xf32, #tpu.memory_space<vmem>> -> memref<640xf32, #tpu.memory_space<vmem>>
      tpu.enqueue_dma source(%dma_start3A_49 : memref<640xf32, #tpu.memory_space<vmem>>) target(%dma_start3A_47 : memref<640xf32, #tpu.memory_space<vmem_shared>>) target_semaphore(%run_scoped3A_40 : memref<!tpu.dma_semaphore, #tpu.memory_space<semaphore_mem>>)
      %dma_wait3A = arith.constant 0 : i32
      %dma_wait3A_50 = tpu.memref_slice %arg12[%dma_wait3A] : memref<10240xf32, #tpu.memory_space<vmem>> -> memref<640xf32, #tpu.memory_space<vmem>>
      %dma_wait3A_51 = arith.constant 0 : i32
      %dma_wait3A_52 = tpu.memref_slice %arg16[%run_scoped3A, %arg1, %dma_wait3A_51] : memref<16x16x640xf32, #tpu.memory_space<vmem_shared>> -> memref<1x1x640xf32, #tpu.memory_space<vmem_shared>>
      %dma_wait3A_53 = tpu.memref_squeeze %dma_wait3A_52 : memref<1x1x640xf32, #tpu.memory_space<vmem_shared>> -> memref<640xf32, #tpu.memory_space<vmem_shared>>
      %dma_wait3A_54 = arith.constant 0 : i32
      %dma_wait3A_55 = tpu.memref_slice %arg16[%run_scoped3A, %arg1, %dma_wait3A_54] : memref<16x16x640xf32, #tpu.memory_space<vmem_shared>> -> memref<1x1x640xf32, #tpu.memory_space<vmem_shared>>
      %dma_wait3A_56 = tpu.memref_squeeze %dma_wait3A_55 : memref<1x1x640xf32, #tpu.memory_space<vmem_shared>> -> memref<640xf32, #tpu.memory_space<vmem_shared>>
      %dma_wait3A_57 = arith.constant 0 : i32
      %dma_wait3A_58 = tpu.memref_slice %arg12[%dma_wait3A_57] : memref<10240xf32, #tpu.memory_space<vmem>> -> memref<640xf32, #tpu.memory_space<vmem>>
      tpu.wait_dma2 semaphore(%run_scoped3A_40 : memref<!tpu.dma_semaphore, #tpu.memory_space<semaphore_mem>>) src(%dma_wait3A_58 : memref<640xf32, #tpu.memory_space<vmem>>) dst(%dma_wait3A_56 : memref<640xf32, #tpu.memory_space<vmem_shared>>)
      tpu.yield
    }) : () -> ()
    %run_scoped3A_7 = arith.constant 1 : i32
    "tpu.region"() ({
      %run_scoped3A_40 = tpu.sem_alloc : memref<!tpu.dma_semaphore, #tpu.memory_space<semaphore_mem>>
      %dma_start3A = arith.constant 640 : i32
      %dma_start3A_41 = tpu.memref_slice %arg12[%dma_start3A] : memref<10240xf32, #tpu.memory_space<vmem>> -> memref<640xf32, #tpu.memory_space<vmem>>
      %dma_start3A_42 = arith.constant 0 : i32
      %dma_start3A_43 = tpu.memref_slice %arg16[%run_scoped3A_7, %arg1, %dma_start3A_42] : memref<16x16x640xf32, #tpu.memory_space<vmem_shared>> -> memref<1x1x640xf32, #tpu.memory_space<vmem_shared>>
      %dma_start3A_44 = tpu.memref_squeeze %dma_start3A_43 : memref<1x1x640xf32, #tpu.memory_space<vmem_shared>> -> memref<640xf32, #tpu.memory_space<vmem_shared>>
      %dma_start3A_45 = arith.constant 0 : i32
      %dma_start3A_46 = tpu.memref_slice %arg16[%run_scoped3A_7, %arg1, %dma_start3A_45] : memref<16x16x640xf32, #tpu.memory_space<vmem_shared>> -> memref<1x1x640xf32, #tpu.memory_space<vmem_shared>>
      %dma_start3A_47 = tpu.memref_squeeze %dma_start3A_46 : memref<1x1x640xf32, #tpu.memory_space<vmem_shared>> -> memref<640xf32, #tpu.memory_space<vmem_shared>>
      %dma_start3A_48 = arith.constant 640 : i32
      %dma_start3A_49 = tpu.memref_slice %arg12[%dma_start3A_48] : memref<10240xf32, #tpu.memory_space<vmem>> -> memref<640xf32, #tpu.memory_space<vmem>>
      tpu.enqueue_dma source(%dma_start3A_49 : memref<640xf32, #tpu.memory_space<vmem>>) target(%dma_start3A_47 : memref<640xf32, #tpu.memory_space<vmem_shared>>) target_semaphore(%run_scoped3A_40 : memref<!tpu.dma_semaphore, #tpu.memory_space<semaphore_mem>>)
      %dma_wait3A = arith.constant 640 : i32
      %dma_wait3A_50 = tpu.memref_slice %arg12[%dma_wait3A] : memref<10240xf32, #tpu.memory_space<vmem>> -> memref<640xf32, #tpu.memory_space<vmem>>
      %dma_wait3A_51 = arith.constant 0 : i32
      %dma_wait3A_52 = tpu.memref_slice %arg16[%run_scoped3A_7, %arg1, %dma_wait3A_51] : memref<16x16x640xf32, #tpu.memory_space<vmem_shared>> -> memref<1x1x640xf32, #tpu.memory_space<vmem_shared>>
      %dma_wait3A_53 = tpu.memref_squeeze %dma_wait3A_52 : memref<1x1x640xf32, #tpu.memory_space<vmem_shared>> -> memref<640xf32, #tpu.memory_space<vmem_shared>>
      %dma_wait3A_54 = arith.constant 0 : i32
      %dma_wait3A_55 = tpu.memref_slice %arg16[%run_scoped3A_7, %arg1, %dma_wait3A_54] : memref<16x16x640xf32, #tpu.memory_space<vmem_shared>> -> memref<1x1x640xf32, #tpu.memory_space<vmem_shared>>
      %dma_wait3A_56 = tpu.memref_squeeze %dma_wait3A_55 : memref<1x1x640xf32, #tpu.memory_space<vmem_shared>> -> memref<640xf32, #tpu.memory_space<vmem_shared>>
      %dma_wait3A_57 = arith.constant 640 : i32
      %dma_wait3A_58 = tpu.memref_slice %arg12[%dma_wait3A_57] : memref<10240xf32, #tpu.memory_space<vmem>> -> memref<640xf32, #tpu.memory_space<vmem>>
      tpu.wait_dma2 semaphore(%run_scoped3A_40 : memref<!tpu.dma_semaphore, #tpu.memory_space<semaphore_mem>>) src(%dma_wait3A_58 : memref<640xf32, #tpu.memory_space<vmem>>) dst(%dma_wait3A_56 : memref<640xf32, #tpu.memory_space<vmem_shared>>)
      tpu.yield
    }) : () -> ()
    %run_scoped3A_8 = arith.constant 2 : i32
    "tpu.region"() ({
      %run_scoped3A_40 = tpu.sem_alloc : memref<!tpu.dma_semaphore, #tpu.memory_space<semaphore_mem>>
      %dma_start3A = arith.constant 1280 : i32
      %dma_start3A_41 = tpu.memref_slice %arg12[%dma_start3A] : memref<10240xf32, #tpu.memory_space<vmem>> -> memref<640xf32, #tpu.memory_space<vmem>>
      %dma_start3A_42 = arith.constant 0 : i32
      %dma_start3A_43 = tpu.memref_slice %arg16[%run_scoped3A_8, %arg1, %dma_start3A_42] : memref<16x16x640xf32, #tpu.memory_space<vmem_shared>> -> memref<1x1x640xf32, #tpu.memory_space<vmem_shared>>
      %dma_start3A_44 = tpu.memref_squeeze %dma_start3A_43 : memref<1x1x640xf32, #tpu.memory_space<vmem_shared>> -> memref<640xf32, #tpu.memory_space<vmem_shared>>
      %dma_start3A_45 = arith.constant 0 : i32
      %dma_start3A_46 = tpu.memref_slice %arg16[%run_scoped3A_8, %arg1, %dma_start3A_45] : memref<16x16x640xf32, #tpu.memory_space<vmem_shared>> -> memref<1x1x640xf32, #tpu.memory_space<vmem_shared>>
      %dma_start3A_47 = tpu.memref_squeeze %dma_start3A_46 : memref<1x1x640xf32, #tpu.memory_space<vmem_shared>> -> memref<640xf32, #tpu.memory_space<vmem_shared>>
      %dma_start3A_48 = arith.constant 1280 : i32
      %dma_start3A_49 = tpu.memref_slice %arg12[%dma_start3A_48] : memref<10240xf32, #tpu.memory_space<vmem>> -> memref<640xf32, #tpu.memory_space<vmem>>
      tpu.enqueue_dma source(%dma_start3A_49 : memref<640xf32, #tpu.memory_space<vmem>>) target(%dma_start3A_47 : memref<640xf32, #tpu.memory_space<vmem_shared>>) target_semaphore(%run_scoped3A_40 : memref<!tpu.dma_semaphore, #tpu.memory_space<semaphore_mem>>)
      %dma_wait3A = arith.constant 1280 : i32
      %dma_wait3A_50 = tpu.memref_slice %arg12[%dma_wait3A] : memref<10240xf32, #tpu.memory_space<vmem>> -> memref<640xf32, #tpu.memory_space<vmem>>
      %dma_wait3A_51 = arith.constant 0 : i32
      %dma_wait3A_52 = tpu.memref_slice %arg16[%run_scoped3A_8, %arg1, %dma_wait3A_51] : memref<16x16x640xf32, #tpu.memory_space<vmem_shared>> -> memref<1x1x640xf32, #tpu.memory_space<vmem_shared>>
      %dma_wait3A_53 = tpu.memref_squeeze %dma_wait3A_52 : memref<1x1x640xf32, #tpu.memory_space<vmem_shared>> -> memref<640xf32, #tpu.memory_space<vmem_shared>>
      %dma_wait3A_54 = arith.constant 0 : i32
      %dma_wait3A_55 = tpu.memref_slice %arg16[%run_scoped3A_8, %arg1, %dma_wait3A_54] : memref<16x16x640xf32, #tpu.memory_space<vmem_shared>> -> memref<1x1x640xf32, #tpu.memory_space<vmem_shared>>
      %dma_wait3A_56 = tpu.memref_squeeze %dma_wait3A_55 : memref<1x1x640xf32, #tpu.memory_space<vmem_shared>> -> memref<640xf32, #tpu.memory_space<vmem_shared>>
      %dma_wait3A_57 = arith.constant 1280 : i32
      %dma_wait3A_58 = tpu.memref_slice %arg12[%dma_wait3A_57] : memref<10240xf32, #tpu.memory_space<vmem>> -> memref<640xf32, #tpu.memory_space<vmem>>
      tpu.wait_dma2 semaphore(%run_scoped3A_40 : memref<!tpu.dma_semaphore, #tpu.memory_space<semaphore_mem>>) src(%dma_wait3A_58 : memref<640xf32, #tpu.memory_space<vmem>>) dst(%dma_wait3A_56 : memref<640xf32, #tpu.memory_space<vmem_shared>>)
      tpu.yield
    }) : () -> ()
    %run_scoped3A_9 = arith.constant 3 : i32
    "tpu.region"() ({
      %run_scoped3A_40 = tpu.sem_alloc : memref<!tpu.dma_semaphore, #tpu.memory_space<semaphore_mem>>
      %dma_start3A = arith.constant 1920 : i32
      %dma_start3A_41 = tpu.memref_slice %arg12[%dma_start3A] : memref<10240xf32, #tpu.memory_space<vmem>> -> memref<640xf32, #tpu.memory_space<vmem>>
      %dma_start3A_42 = arith.constant 0 : i32
      %dma_start3A_43 = tpu.memref_slice %arg16[%run_scoped3A_9, %arg1, %dma_start3A_42] : memref<16x16x640xf32, #tpu.memory_space<vmem_shared>> -> memref<1x1x640xf32, #tpu.memory_space<vmem_shared>>
      %dma_start3A_44 = tpu.memref_squeeze %dma_start3A_43 : memref<1x1x640xf32, #tpu.memory_space<vmem_shared>> -> memref<640xf32, #tpu.memory_space<vmem_shared>>
      %dma_start3A_45 = arith.constant 0 : i32
      %dma_start3A_46 = tpu.memref_slice %arg16[%run_scoped3A_9, %arg1, %dma_start3A_45] : memref<16x16x640xf32, #tpu.memory_space<vmem_shared>> -> memref<1x1x640xf32, #tpu.memory_space<vmem_shared>>
      %dma_start3A_47 = tpu.memref_squeeze %dma_start3A_46 : memref<1x1x640xf32, #tpu.memory_space<vmem_shared>> -> memref<640xf32, #tpu.memory_space<vmem_shared>>
      %dma_start3A_48 = arith.constant 1920 : i32
      %dma_start3A_49 = tpu.memref_slice %arg12[%dma_start3A_48] : memref<10240xf32, #tpu.memory_space<vmem>> -> memref<640xf32, #tpu.memory_space<vmem>>
      tpu.enqueue_dma source(%dma_start3A_49 : memref<640xf32, #tpu.memory_space<vmem>>) target(%dma_start3A_47 : memref<640xf32, #tpu.memory_space<vmem_shared>>) target_semaphore(%run_scoped3A_40 : memref<!tpu.dma_semaphore, #tpu.memory_space<semaphore_mem>>)
      %dma_wait3A = arith.constant 1920 : i32
      %dma_wait3A_50 = tpu.memref_slice %arg12[%dma_wait3A] : memref<10240xf32, #tpu.memory_space<vmem>> -> memref<640xf32, #tpu.memory_space<vmem>>
      %dma_wait3A_51 = arith.constant 0 : i32
      %dma_wait3A_52 = tpu.memref_slice %arg16[%run_scoped3A_9, %arg1, %dma_wait3A_51] : memref<16x16x640xf32, #tpu.memory_space<vmem_shared>> -> memref<1x1x640xf32, #tpu.memory_space<vmem_shared>>
      %dma_wait3A_53 = tpu.memref_squeeze %dma_wait3A_52 : memref<1x1x640xf32, #tpu.memory_space<vmem_shared>> -> memref<640xf32, #tpu.memory_space<vmem_shared>>
      %dma_wait3A_54 = arith.constant 0 : i32
      %dma_wait3A_55 = tpu.memref_slice %arg16[%run_scoped3A_9, %arg1, %dma_wait3A_54] : memref<16x16x640xf32, #tpu.memory_space<vmem_shared>> -> memref<1x1x640xf32, #tpu.memory_space<vmem_shared>>
      %dma_wait3A_56 = tpu.memref_squeeze %dma_wait3A_55 : memref<1x1x640xf32, #tpu.memory_space<vmem_shared>> -> memref<640xf32, #tpu.memory_space<vmem_shared>>
      %dma_wait3A_57 = arith.constant 1920 : i32
      %dma_wait3A_58 = tpu.memref_slice %arg12[%dma_wait3A_57] : memref<10240xf32, #tpu.memory_space<vmem>> -> memref<640xf32, #tpu.memory_space<vmem>>
      tpu.wait_dma2 semaphore(%run_scoped3A_40 : memref<!tpu.dma_semaphore, #tpu.memory_space<semaphore_mem>>) src(%dma_wait3A_58 : memref<640xf32, #tpu.memory_space<vmem>>) dst(%dma_wait3A_56 : memref<640xf32, #tpu.memory_space<vmem_shared>>)
      tpu.yield
    }) : () -> ()
    %run_scoped3A_10 = arith.constant 4 : i32
    "tpu.region"() ({
      %run_scoped3A_40 = tpu.sem_alloc : memref<!tpu.dma_semaphore, #tpu.memory_space<semaphore_mem>>
      %dma_start3A = arith.constant 2560 : i32
      %dma_start3A_41 = tpu.memref_slice %arg12[%dma_start3A] : memref<10240xf32, #tpu.memory_space<vmem>> -> memref<640xf32, #tpu.memory_space<vmem>>
      %dma_start3A_42 = arith.constant 0 : i32
      %dma_start3A_43 = tpu.memref_slice %arg16[%run_scoped3A_10, %arg1, %dma_start3A_42] : memref<16x16x640xf32, #tpu.memory_space<vmem_shared>> -> memref<1x1x640xf32, #tpu.memory_space<vmem_shared>>
      %dma_start3A_44 = tpu.memref_squeeze %dma_start3A_43 : memref<1x1x640xf32, #tpu.memory_space<vmem_shared>> -> memref<640xf32, #tpu.memory_space<vmem_shared>>
      %dma_start3A_45 = arith.constant 0 : i32
      %dma_start3A_46 = tpu.memref_slice %arg16[%run_scoped3A_10, %arg1, %dma_start3A_45] : memref<16x16x640xf32, #tpu.memory_space<vmem_shared>> -> memref<1x1x640xf32, #tpu.memory_space<vmem_shared>>
      %dma_start3A_47 = tpu.memref_squeeze %dma_start3A_46 : memref<1x1x640xf32, #tpu.memory_space<vmem_shared>> -> memref<640xf32, #tpu.memory_space<vmem_shared>>
      %dma_start3A_48 = arith.constant 2560 : i32
      %dma_start3A_49 = tpu.memref_slice %arg12[%dma_start3A_48] : memref<10240xf32, #tpu.memory_space<vmem>> -> memref<640xf32, #tpu.memory_space<vmem>>
      tpu.enqueue_dma source(%dma_start3A_49 : memref<640xf32, #tpu.memory_space<vmem>>) target(%dma_start3A_47 : memref<640xf32, #tpu.memory_space<vmem_shared>>) target_semaphore(%run_scoped3A_40 : memref<!tpu.dma_semaphore, #tpu.memory_space<semaphore_mem>>)
      %dma_wait3A = arith.constant 2560 : i32
      %dma_wait3A_50 = tpu.memref_slice %arg12[%dma_wait3A] : memref<10240xf32, #tpu.memory_space<vmem>> -> memref<640xf32, #tpu.memory_space<vmem>>
      %dma_wait3A_51 = arith.constant 0 : i32
      %dma_wait3A_52 = tpu.memref_slice %arg16[%run_scoped3A_10, %arg1, %dma_wait3A_51] : memref<16x16x640xf32, #tpu.memory_space<vmem_shared>> -> memref<1x1x640xf32, #tpu.memory_space<vmem_shared>>
      %dma_wait3A_53 = tpu.memref_squeeze %dma_wait3A_52 : memref<1x1x640xf32, #tpu.memory_space<vmem_shared>> -> memref<640xf32, #tpu.memory_space<vmem_shared>>
      %dma_wait3A_54 = arith.constant 0 : i32
      %dma_wait3A_55 = tpu.memref_slice %arg16[%run_scoped3A_10, %arg1, %dma_wait3A_54] : memref<16x16x640xf32, #tpu.memory_space<vmem_shared>> -> memref<1x1x640xf32, #tpu.memory_space<vmem_shared>>
      %dma_wait3A_56 = tpu.memref_squeeze %dma_wait3A_55 : memref<1x1x640xf32, #tpu.memory_space<vmem_shared>> -> memref<640xf32, #tpu.memory_space<vmem_shared>>
      %dma_wait3A_57 = arith.constant 2560 : i32
      %dma_wait3A_58 = tpu.memref_slice %arg12[%dma_wait3A_57] : memref<10240xf32, #tpu.memory_space<vmem>> -> memref<640xf32, #tpu.memory_space<vmem>>
      tpu.wait_dma2 semaphore(%run_scoped3A_40 : memref<!tpu.dma_semaphore, #tpu.memory_space<semaphore_mem>>) src(%dma_wait3A_58 : memref<640xf32, #tpu.memory_space<vmem>>) dst(%dma_wait3A_56 : memref<640xf32, #tpu.memory_space<vmem_shared>>)
      tpu.yield
    }) : () -> ()
    %run_scoped3A_11 = arith.constant 5 : i32
    "tpu.region"() ({
      %run_scoped3A_40 = tpu.sem_alloc : memref<!tpu.dma_semaphore, #tpu.memory_space<semaphore_mem>>
      %dma_start3A = arith.constant 3200 : i32
      %dma_start3A_41 = tpu.memref_slice %arg12[%dma_start3A] : memref<10240xf32, #tpu.memory_space<vmem>> -> memref<640xf32, #tpu.memory_space<vmem>>
      %dma_start3A_42 = arith.constant 0 : i32
      %dma_start3A_43 = tpu.memref_slice %arg16[%run_scoped3A_11, %arg1, %dma_start3A_42] : memref<16x16x640xf32, #tpu.memory_space<vmem_shared>> -> memref<1x1x640xf32, #tpu.memory_space<vmem_shared>>
      %dma_start3A_44 = tpu.memref_squeeze %dma_start3A_43 : memref<1x1x640xf32, #tpu.memory_space<vmem_shared>> -> memref<640xf32, #tpu.memory_space<vmem_shared>>
      %dma_start3A_45 = arith.constant 0 : i32
      %dma_start3A_46 = tpu.memref_slice %arg16[%run_scoped3A_11, %arg1, %dma_start3A_45] : memref<16x16x640xf32, #tpu.memory_space<vmem_shared>> -> memref<1x1x640xf32, #tpu.memory_space<vmem_shared>>
      %dma_start3A_47 = tpu.memref_squeeze %dma_start3A_46 : memref<1x1x640xf32, #tpu.memory_space<vmem_shared>> -> memref<640xf32, #tpu.memory_space<vmem_shared>>
      %dma_start3A_48 = arith.constant 3200 : i32
      %dma_start3A_49 = tpu.memref_slice %arg12[%dma_start3A_48] : memref<10240xf32, #tpu.memory_space<vmem>> -> memref<640xf32, #tpu.memory_space<vmem>>
      tpu.enqueue_dma source(%dma_start3A_49 : memref<640xf32, #tpu.memory_space<vmem>>) target(%dma_start3A_47 : memref<640xf32, #tpu.memory_space<vmem_shared>>) target_semaphore(%run_scoped3A_40 : memref<!tpu.dma_semaphore, #tpu.memory_space<semaphore_mem>>)
      %dma_wait3A = arith.constant 3200 : i32
      %dma_wait3A_50 = tpu.memref_slice %arg12[%dma_wait3A] : memref<10240xf32, #tpu.memory_space<vmem>> -> memref<640xf32, #tpu.memory_space<vmem>>
      %dma_wait3A_51 = arith.constant 0 : i32
      %dma_wait3A_52 = tpu.memref_slice %arg16[%run_scoped3A_11, %arg1, %dma_wait3A_51] : memref<16x16x640xf32, #tpu.memory_space<vmem_shared>> -> memref<1x1x640xf32, #tpu.memory_space<vmem_shared>>
      %dma_wait3A_53 = tpu.memref_squeeze %dma_wait3A_52 : memref<1x1x640xf32, #tpu.memory_space<vmem_shared>> -> memref<640xf32, #tpu.memory_space<vmem_shared>>
      %dma_wait3A_54 = arith.constant 0 : i32
      %dma_wait3A_55 = tpu.memref_slice %arg16[%run_scoped3A_11, %arg1, %dma_wait3A_54] : memref<16x16x640xf32, #tpu.memory_space<vmem_shared>> -> memref<1x1x640xf32, #tpu.memory_space<vmem_shared>>
      %dma_wait3A_56 = tpu.memref_squeeze %dma_wait3A_55 : memref<1x1x640xf32, #tpu.memory_space<vmem_shared>> -> memref<640xf32, #tpu.memory_space<vmem_shared>>
      %dma_wait3A_57 = arith.constant 3200 : i32
      %dma_wait3A_58 = tpu.memref_slice %arg12[%dma_wait3A_57] : memref<10240xf32, #tpu.memory_space<vmem>> -> memref<640xf32, #tpu.memory_space<vmem>>
      tpu.wait_dma2 semaphore(%run_scoped3A_40 : memref<!tpu.dma_semaphore, #tpu.memory_space<semaphore_mem>>) src(%dma_wait3A_58 : memref<640xf32, #tpu.memory_space<vmem>>) dst(%dma_wait3A_56 : memref<640xf32, #tpu.memory_space<vmem_shared>>)
      tpu.yield
    }) : () -> ()
    %run_scoped3A_12 = arith.constant 6 : i32
    "tpu.region"() ({
      %run_scoped3A_40 = tpu.sem_alloc : memref<!tpu.dma_semaphore, #tpu.memory_space<semaphore_mem>>
      %dma_start3A = arith.constant 3840 : i32
      %dma_start3A_41 = tpu.memref_slice %arg12[%dma_start3A] : memref<10240xf32, #tpu.memory_space<vmem>> -> memref<640xf32, #tpu.memory_space<vmem>>
      %dma_start3A_42 = arith.constant 0 : i32
      %dma_start3A_43 = tpu.memref_slice %arg16[%run_scoped3A_12, %arg1, %dma_start3A_42] : memref<16x16x640xf32, #tpu.memory_space<vmem_shared>> -> memref<1x1x640xf32, #tpu.memory_space<vmem_shared>>
      %dma_start3A_44 = tpu.memref_squeeze %dma_start3A_43 : memref<1x1x640xf32, #tpu.memory_space<vmem_shared>> -> memref<640xf32, #tpu.memory_space<vmem_shared>>
      %dma_start3A_45 = arith.constant 0 : i32
      %dma_start3A_46 = tpu.memref_slice %arg16[%run_scoped3A_12, %arg1, %dma_start3A_45] : memref<16x16x640xf32, #tpu.memory_space<vmem_shared>> -> memref<1x1x640xf32, #tpu.memory_space<vmem_shared>>
      %dma_start3A_47 = tpu.memref_squeeze %dma_start3A_46 : memref<1x1x640xf32, #tpu.memory_space<vmem_shared>> -> memref<640xf32, #tpu.memory_space<vmem_shared>>
      %dma_start3A_48 = arith.constant 3840 : i32
      %dma_start3A_49 = tpu.memref_slice %arg12[%dma_start3A_48] : memref<10240xf32, #tpu.memory_space<vmem>> -> memref<640xf32, #tpu.memory_space<vmem>>
      tpu.enqueue_dma source(%dma_start3A_49 : memref<640xf32, #tpu.memory_space<vmem>>) target(%dma_start3A_47 : memref<640xf32, #tpu.memory_space<vmem_shared>>) target_semaphore(%run_scoped3A_40 : memref<!tpu.dma_semaphore, #tpu.memory_space<semaphore_mem>>)
      %dma_wait3A = arith.constant 3840 : i32
      %dma_wait3A_50 = tpu.memref_slice %arg12[%dma_wait3A] : memref<10240xf32, #tpu.memory_space<vmem>> -> memref<640xf32, #tpu.memory_space<vmem>>
      %dma_wait3A_51 = arith.constant 0 : i32
      %dma_wait3A_52 = tpu.memref_slice %arg16[%run_scoped3A_12, %arg1, %dma_wait3A_51] : memref<16x16x640xf32, #tpu.memory_space<vmem_shared>> -> memref<1x1x640xf32, #tpu.memory_space<vmem_shared>>
      %dma_wait3A_53 = tpu.memref_squeeze %dma_wait3A_52 : memref<1x1x640xf32, #tpu.memory_space<vmem_shared>> -> memref<640xf32, #tpu.memory_space<vmem_shared>>
      %dma_wait3A_54 = arith.constant 0 : i32
      %dma_wait3A_55 = tpu.memref_slice %arg16[%run_scoped3A_12, %arg1, %dma_wait3A_54] : memref<16x16x640xf32, #tpu.memory_space<vmem_shared>> -> memref<1x1x640xf32, #tpu.memory_space<vmem_shared>>
      %dma_wait3A_56 = tpu.memref_squeeze %dma_wait3A_55 : memref<1x1x640xf32, #tpu.memory_space<vmem_shared>> -> memref<640xf32, #tpu.memory_space<vmem_shared>>
      %dma_wait3A_57 = arith.constant 3840 : i32
      %dma_wait3A_58 = tpu.memref_slice %arg12[%dma_wait3A_57] : memref<10240xf32, #tpu.memory_space<vmem>> -> memref<640xf32, #tpu.memory_space<vmem>>
      tpu.wait_dma2 semaphore(%run_scoped3A_40 : memref<!tpu.dma_semaphore, #tpu.memory_space<semaphore_mem>>) src(%dma_wait3A_58 : memref<640xf32, #tpu.memory_space<vmem>>) dst(%dma_wait3A_56 : memref<640xf32, #tpu.memory_space<vmem_shared>>)
      tpu.yield
    }) : () -> ()
    %run_scoped3A_13 = arith.constant 7 : i32
    "tpu.region"() ({
      %run_scoped3A_40 = tpu.sem_alloc : memref<!tpu.dma_semaphore, #tpu.memory_space<semaphore_mem>>
      %dma_start3A = arith.constant 4480 : i32
      %dma_start3A_41 = tpu.memref_slice %arg12[%dma_start3A] : memref<10240xf32, #tpu.memory_space<vmem>> -> memref<640xf32, #tpu.memory_space<vmem>>
      %dma_start3A_42 = arith.constant 0 : i32
      %dma_start3A_43 = tpu.memref_slice %arg16[%run_scoped3A_13, %arg1, %dma_start3A_42] : memref<16x16x640xf32, #tpu.memory_space<vmem_shared>> -> memref<1x1x640xf32, #tpu.memory_space<vmem_shared>>
      %dma_start3A_44 = tpu.memref_squeeze %dma_start3A_43 : memref<1x1x640xf32, #tpu.memory_space<vmem_shared>> -> memref<640xf32, #tpu.memory_space<vmem_shared>>
      %dma_start3A_45 = arith.constant 0 : i32
      %dma_start3A_46 = tpu.memref_slice %arg16[%run_scoped3A_13, %arg1, %dma_start3A_45] : memref<16x16x640xf32, #tpu.memory_space<vmem_shared>> -> memref<1x1x640xf32, #tpu.memory_space<vmem_shared>>
      %dma_start3A_47 = tpu.memref_squeeze %dma_start3A_46 : memref<1x1x640xf32, #tpu.memory_space<vmem_shared>> -> memref<640xf32, #tpu.memory_space<vmem_shared>>
      %dma_start3A_48 = arith.constant 4480 : i32
      %dma_start3A_49 = tpu.memref_slice %arg12[%dma_start3A_48] : memref<10240xf32, #tpu.memory_space<vmem>> -> memref<640xf32, #tpu.memory_space<vmem>>
      tpu.enqueue_dma source(%dma_start3A_49 : memref<640xf32, #tpu.memory_space<vmem>>) target(%dma_start3A_47 : memref<640xf32, #tpu.memory_space<vmem_shared>>) target_semaphore(%run_scoped3A_40 : memref<!tpu.dma_semaphore, #tpu.memory_space<semaphore_mem>>)
      %dma_wait3A = arith.constant 4480 : i32
      %dma_wait3A_50 = tpu.memref_slice %arg12[%dma_wait3A] : memref<10240xf32, #tpu.memory_space<vmem>> -> memref<640xf32, #tpu.memory_space<vmem>>
      %dma_wait3A_51 = arith.constant 0 : i32
      %dma_wait3A_52 = tpu.memref_slice %arg16[%run_scoped3A_13, %arg1, %dma_wait3A_51] : memref<16x16x640xf32, #tpu.memory_space<vmem_shared>> -> memref<1x1x640xf32, #tpu.memory_space<vmem_shared>>
      %dma_wait3A_53 = tpu.memref_squeeze %dma_wait3A_52 : memref<1x1x640xf32, #tpu.memory_space<vmem_shared>> -> memref<640xf32, #tpu.memory_space<vmem_shared>>
      %dma_wait3A_54 = arith.constant 0 : i32
      %dma_wait3A_55 = tpu.memref_slice %arg16[%run_scoped3A_13, %arg1, %dma_wait3A_54] : memref<16x16x640xf32, #tpu.memory_space<vmem_shared>> -> memref<1x1x640xf32, #tpu.memory_space<vmem_shared>>
      %dma_wait3A_56 = tpu.memref_squeeze %dma_wait3A_55 : memref<1x1x640xf32, #tpu.memory_space<vmem_shared>> -> memref<640xf32, #tpu.memory_space<vmem_shared>>
      %dma_wait3A_57 = arith.constant 4480 : i32
      %dma_wait3A_58 = tpu.memref_slice %arg12[%dma_wait3A_57] : memref<10240xf32, #tpu.memory_space<vmem>> -> memref<640xf32, #tpu.memory_space<vmem>>
      tpu.wait_dma2 semaphore(%run_scoped3A_40 : memref<!tpu.dma_semaphore, #tpu.memory_space<semaphore_mem>>) src(%dma_wait3A_58 : memref<640xf32, #tpu.memory_space<vmem>>) dst(%dma_wait3A_56 : memref<640xf32, #tpu.memory_space<vmem_shared>>)
      tpu.yield
    }) : () -> ()
    %run_scoped3A_14 = arith.constant 8 : i32
    "tpu.region"() ({
      %run_scoped3A_40 = tpu.sem_alloc : memref<!tpu.dma_semaphore, #tpu.memory_space<semaphore_mem>>
      %dma_start3A = arith.constant 5120 : i32
      %dma_start3A_41 = tpu.memref_slice %arg12[%dma_start3A] : memref<10240xf32, #tpu.memory_space<vmem>> -> memref<640xf32, #tpu.memory_space<vmem>>
      %dma_start3A_42 = arith.constant 0 : i32
      %dma_start3A_43 = tpu.memref_slice %arg16[%run_scoped3A_14, %arg1, %dma_start3A_42] : memref<16x16x640xf32, #tpu.memory_space<vmem_shared>> -> memref<1x1x640xf32, #tpu.memory_space<vmem_shared>>
      %dma_start3A_44 = tpu.memref_squeeze %dma_start3A_43 : memref<1x1x640xf32, #tpu.memory_space<vmem_shared>> -> memref<640xf32, #tpu.memory_space<vmem_shared>>
      %dma_start3A_45 = arith.constant 0 : i32
      %dma_start3A_46 = tpu.memref_slice %arg16[%run_scoped3A_14, %arg1, %dma_start3A_45] : memref<16x16x640xf32, #tpu.memory_space<vmem_shared>> -> memref<1x1x640xf32, #tpu.memory_space<vmem_shared>>
      %dma_start3A_47 = tpu.memref_squeeze %dma_start3A_46 : memref<1x1x640xf32, #tpu.memory_space<vmem_shared>> -> memref<640xf32, #tpu.memory_space<vmem_shared>>
      %dma_start3A_48 = arith.constant 5120 : i32
      %dma_start3A_49 = tpu.memref_slice %arg12[%dma_start3A_48] : memref<10240xf32, #tpu.memory_space<vmem>> -> memref<640xf32, #tpu.memory_space<vmem>>
      tpu.enqueue_dma source(%dma_start3A_49 : memref<640xf32, #tpu.memory_space<vmem>>) target(%dma_start3A_47 : memref<640xf32, #tpu.memory_space<vmem_shared>>) target_semaphore(%run_scoped3A_40 : memref<!tpu.dma_semaphore, #tpu.memory_space<semaphore_mem>>)
      %dma_wait3A = arith.constant 5120 : i32
      %dma_wait3A_50 = tpu.memref_slice %arg12[%dma_wait3A] : memref<10240xf32, #tpu.memory_space<vmem>> -> memref<640xf32, #tpu.memory_space<vmem>>
      %dma_wait3A_51 = arith.constant 0 : i32
      %dma_wait3A_52 = tpu.memref_slice %arg16[%run_scoped3A_14, %arg1, %dma_wait3A_51] : memref<16x16x640xf32, #tpu.memory_space<vmem_shared>> -> memref<1x1x640xf32, #tpu.memory_space<vmem_shared>>
      %dma_wait3A_53 = tpu.memref_squeeze %dma_wait3A_52 : memref<1x1x640xf32, #tpu.memory_space<vmem_shared>> -> memref<640xf32, #tpu.memory_space<vmem_shared>>
      %dma_wait3A_54 = arith.constant 0 : i32
      %dma_wait3A_55 = tpu.memref_slice %arg16[%run_scoped3A_14, %arg1, %dma_wait3A_54] : memref<16x16x640xf32, #tpu.memory_space<vmem_shared>> -> memref<1x1x640xf32, #tpu.memory_space<vmem_shared>>
      %dma_wait3A_56 = tpu.memref_squeeze %dma_wait3A_55 : memref<1x1x640xf32, #tpu.memory_space<vmem_shared>> -> memref<640xf32, #tpu.memory_space<vmem_shared>>
      %dma_wait3A_57 = arith.constant 5120 : i32
      %dma_wait3A_58 = tpu.memref_slice %arg12[%dma_wait3A_57] : memref<10240xf32, #tpu.memory_space<vmem>> -> memref<640xf32, #tpu.memory_space<vmem>>
      tpu.wait_dma2 semaphore(%run_scoped3A_40 : memref<!tpu.dma_semaphore, #tpu.memory_space<semaphore_mem>>) src(%dma_wait3A_58 : memref<640xf32, #tpu.memory_space<vmem>>) dst(%dma_wait3A_56 : memref<640xf32, #tpu.memory_space<vmem_shared>>)
      tpu.yield
    }) : () -> ()
    %run_scoped3A_15 = arith.constant 9 : i32
    "tpu.region"() ({
      %run_scoped3A_40 = tpu.sem_alloc : memref<!tpu.dma_semaphore, #tpu.memory_space<semaphore_mem>>
      %dma_start3A = arith.constant 5760 : i32
      %dma_start3A_41 = tpu.memref_slice %arg12[%dma_start3A] : memref<10240xf32, #tpu.memory_space<vmem>> -> memref<640xf32, #tpu.memory_space<vmem>>
      %dma_start3A_42 = arith.constant 0 : i32
      %dma_start3A_43 = tpu.memref_slice %arg16[%run_scoped3A_15, %arg1, %dma_start3A_42] : memref<16x16x640xf32, #tpu.memory_space<vmem_shared>> -> memref<1x1x640xf32, #tpu.memory_space<vmem_shared>>
      %dma_start3A_44 = tpu.memref_squeeze %dma_start3A_43 : memref<1x1x640xf32, #tpu.memory_space<vmem_shared>> -> memref<640xf32, #tpu.memory_space<vmem_shared>>
      %dma_start3A_45 = arith.constant 0 : i32
      %dma_start3A_46 = tpu.memref_slice %arg16[%run_scoped3A_15, %arg1, %dma_start3A_45] : memref<16x16x640xf32, #tpu.memory_space<vmem_shared>> -> memref<1x1x640xf32, #tpu.memory_space<vmem_shared>>
      %dma_start3A_47 = tpu.memref_squeeze %dma_start3A_46 : memref<1x1x640xf32, #tpu.memory_space<vmem_shared>> -> memref<640xf32, #tpu.memory_space<vmem_shared>>
      %dma_start3A_48 = arith.constant 5760 : i32
      %dma_start3A_49 = tpu.memref_slice %arg12[%dma_start3A_48] : memref<10240xf32, #tpu.memory_space<vmem>> -> memref<640xf32, #tpu.memory_space<vmem>>
      tpu.enqueue_dma source(%dma_start3A_49 : memref<640xf32, #tpu.memory_space<vmem>>) target(%dma_start3A_47 : memref<640xf32, #tpu.memory_space<vmem_shared>>) target_semaphore(%run_scoped3A_40 : memref<!tpu.dma_semaphore, #tpu.memory_space<semaphore_mem>>)
      %dma_wait3A = arith.constant 5760 : i32
      %dma_wait3A_50 = tpu.memref_slice %arg12[%dma_wait3A] : memref<10240xf32, #tpu.memory_space<vmem>> -> memref<640xf32, #tpu.memory_space<vmem>>
      %dma_wait3A_51 = arith.constant 0 : i32
      %dma_wait3A_52 = tpu.memref_slice %arg16[%run_scoped3A_15, %arg1, %dma_wait3A_51] : memref<16x16x640xf32, #tpu.memory_space<vmem_shared>> -> memref<1x1x640xf32, #tpu.memory_space<vmem_shared>>
      %dma_wait3A_53 = tpu.memref_squeeze %dma_wait3A_52 : memref<1x1x640xf32, #tpu.memory_space<vmem_shared>> -> memref<640xf32, #tpu.memory_space<vmem_shared>>
      %dma_wait3A_54 = arith.constant 0 : i32
      %dma_wait3A_55 = tpu.memref_slice %arg16[%run_scoped3A_15, %arg1, %dma_wait3A_54] : memref<16x16x640xf32, #tpu.memory_space<vmem_shared>> -> memref<1x1x640xf32, #tpu.memory_space<vmem_shared>>
      %dma_wait3A_56 = tpu.memref_squeeze %dma_wait3A_55 : memref<1x1x640xf32, #tpu.memory_space<vmem_shared>> -> memref<640xf32, #tpu.memory_space<vmem_shared>>
      %dma_wait3A_57 = arith.constant 5760 : i32
      %dma_wait3A_58 = tpu.memref_slice %arg12[%dma_wait3A_57] : memref<10240xf32, #tpu.memory_space<vmem>> -> memref<640xf32, #tpu.memory_space<vmem>>
      tpu.wait_dma2 semaphore(%run_scoped3A_40 : memref<!tpu.dma_semaphore, #tpu.memory_space<semaphore_mem>>) src(%dma_wait3A_58 : memref<640xf32, #tpu.memory_space<vmem>>) dst(%dma_wait3A_56 : memref<640xf32, #tpu.memory_space<vmem_shared>>)
      tpu.yield
    }) : () -> ()
    %run_scoped3A_16 = arith.constant 10 : i32
    "tpu.region"() ({
      %run_scoped3A_40 = tpu.sem_alloc : memref<!tpu.dma_semaphore, #tpu.memory_space<semaphore_mem>>
      %dma_start3A = arith.constant 6400 : i32
      %dma_start3A_41 = tpu.memref_slice %arg12[%dma_start3A] : memref<10240xf32, #tpu.memory_space<vmem>> -> memref<640xf32, #tpu.memory_space<vmem>>
      %dma_start3A_42 = arith.constant 0 : i32
      %dma_start3A_43 = tpu.memref_slice %arg16[%run_scoped3A_16, %arg1, %dma_start3A_42] : memref<16x16x640xf32, #tpu.memory_space<vmem_shared>> -> memref<1x1x640xf32, #tpu.memory_space<vmem_shared>>
      %dma_start3A_44 = tpu.memref_squeeze %dma_start3A_43 : memref<1x1x640xf32, #tpu.memory_space<vmem_shared>> -> memref<640xf32, #tpu.memory_space<vmem_shared>>
      %dma_start3A_45 = arith.constant 0 : i32
      %dma_start3A_46 = tpu.memref_slice %arg16[%run_scoped3A_16, %arg1, %dma_start3A_45] : memref<16x16x640xf32, #tpu.memory_space<vmem_shared>> -> memref<1x1x640xf32, #tpu.memory_space<vmem_shared>>
      %dma_start3A_47 = tpu.memref_squeeze %dma_start3A_46 : memref<1x1x640xf32, #tpu.memory_space<vmem_shared>> -> memref<640xf32, #tpu.memory_space<vmem_shared>>
      %dma_start3A_48 = arith.constant 6400 : i32
      %dma_start3A_49 = tpu.memref_slice %arg12[%dma_start3A_48] : memref<10240xf32, #tpu.memory_space<vmem>> -> memref<640xf32, #tpu.memory_space<vmem>>
      tpu.enqueue_dma source(%dma_start3A_49 : memref<640xf32, #tpu.memory_space<vmem>>) target(%dma_start3A_47 : memref<640xf32, #tpu.memory_space<vmem_shared>>) target_semaphore(%run_scoped3A_40 : memref<!tpu.dma_semaphore, #tpu.memory_space<semaphore_mem>>)
      %dma_wait3A = arith.constant 6400 : i32
      %dma_wait3A_50 = tpu.memref_slice %arg12[%dma_wait3A] : memref<10240xf32, #tpu.memory_space<vmem>> -> memref<640xf32, #tpu.memory_space<vmem>>
      %dma_wait3A_51 = arith.constant 0 : i32
      %dma_wait3A_52 = tpu.memref_slice %arg16[%run_scoped3A_16, %arg1, %dma_wait3A_51] : memref<16x16x640xf32, #tpu.memory_space<vmem_shared>> -> memref<1x1x640xf32, #tpu.memory_space<vmem_shared>>
      %dma_wait3A_53 = tpu.memref_squeeze %dma_wait3A_52 : memref<1x1x640xf32, #tpu.memory_space<vmem_shared>> -> memref<640xf32, #tpu.memory_space<vmem_shared>>
      %dma_wait3A_54 = arith.constant 0 : i32
      %dma_wait3A_55 = tpu.memref_slice %arg16[%run_scoped3A_16, %arg1, %dma_wait3A_54] : memref<16x16x640xf32, #tpu.memory_space<vmem_shared>> -> memref<1x1x640xf32, #tpu.memory_space<vmem_shared>>
      %dma_wait3A_56 = tpu.memref_squeeze %dma_wait3A_55 : memref<1x1x640xf32, #tpu.memory_space<vmem_shared>> -> memref<640xf32, #tpu.memory_space<vmem_shared>>
      %dma_wait3A_57 = arith.constant 6400 : i32
      %dma_wait3A_58 = tpu.memref_slice %arg12[%dma_wait3A_57] : memref<10240xf32, #tpu.memory_space<vmem>> -> memref<640xf32, #tpu.memory_space<vmem>>
      tpu.wait_dma2 semaphore(%run_scoped3A_40 : memref<!tpu.dma_semaphore, #tpu.memory_space<semaphore_mem>>) src(%dma_wait3A_58 : memref<640xf32, #tpu.memory_space<vmem>>) dst(%dma_wait3A_56 : memref<640xf32, #tpu.memory_space<vmem_shared>>)
      tpu.yield
    }) : () -> ()
    %run_scoped3A_17 = arith.constant 11 : i32
    "tpu.region"() ({
      %run_scoped3A_40 = tpu.sem_alloc : memref<!tpu.dma_semaphore, #tpu.memory_space<semaphore_mem>>
      %dma_start3A = arith.constant 7040 : i32
      %dma_start3A_41 = tpu.memref_slice %arg12[%dma_start3A] : memref<10240xf32, #tpu.memory_space<vmem>> -> memref<640xf32, #tpu.memory_space<vmem>>
      %dma_start3A_42 = arith.constant 0 : i32
      %dma_start3A_43 = tpu.memref_slice %arg16[%run_scoped3A_17, %arg1, %dma_start3A_42] : memref<16x16x640xf32, #tpu.memory_space<vmem_shared>> -> memref<1x1x640xf32, #tpu.memory_space<vmem_shared>>
      %dma_start3A_44 = tpu.memref_squeeze %dma_start3A_43 : memref<1x1x640xf32, #tpu.memory_space<vmem_shared>> -> memref<640xf32, #tpu.memory_space<vmem_shared>>
      %dma_start3A_45 = arith.constant 0 : i32
      %dma_start3A_46 = tpu.memref_slice %arg16[%run_scoped3A_17, %arg1, %dma_start3A_45] : memref<16x16x640xf32, #tpu.memory_space<vmem_shared>> -> memref<1x1x640xf32, #tpu.memory_space<vmem_shared>>
      %dma_start3A_47 = tpu.memref_squeeze %dma_start3A_46 : memref<1x1x640xf32, #tpu.memory_space<vmem_shared>> -> memref<640xf32, #tpu.memory_space<vmem_shared>>
      %dma_start3A_48 = arith.constant 7040 : i32
      %dma_start3A_49 = tpu.memref_slice %arg12[%dma_start3A_48] : memref<10240xf32, #tpu.memory_space<vmem>> -> memref<640xf32, #tpu.memory_space<vmem>>
      tpu.enqueue_dma source(%dma_start3A_49 : memref<640xf32, #tpu.memory_space<vmem>>) target(%dma_start3A_47 : memref<640xf32, #tpu.memory_space<vmem_shared>>) target_semaphore(%run_scoped3A_40 : memref<!tpu.dma_semaphore, #tpu.memory_space<semaphore_mem>>)
      %dma_wait3A = arith.constant 7040 : i32
      %dma_wait3A_50 = tpu.memref_slice %arg12[%dma_wait3A] : memref<10240xf32, #tpu.memory_space<vmem>> -> memref<640xf32, #tpu.memory_space<vmem>>
      %dma_wait3A_51 = arith.constant 0 : i32
      %dma_wait3A_52 = tpu.memref_slice %arg16[%run_scoped3A_17, %arg1, %dma_wait3A_51] : memref<16x16x640xf32, #tpu.memory_space<vmem_shared>> -> memref<1x1x640xf32, #tpu.memory_space<vmem_shared>>
      %dma_wait3A_53 = tpu.memref_squeeze %dma_wait3A_52 : memref<1x1x640xf32, #tpu.memory_space<vmem_shared>> -> memref<640xf32, #tpu.memory_space<vmem_shared>>
      %dma_wait3A_54 = arith.constant 0 : i32
      %dma_wait3A_55 = tpu.memref_slice %arg16[%run_scoped3A_17, %arg1, %dma_wait3A_54] : memref<16x16x640xf32, #tpu.memory_space<vmem_shared>> -> memref<1x1x640xf32, #tpu.memory_space<vmem_shared>>
      %dma_wait3A_56 = tpu.memref_squeeze %dma_wait3A_55 : memref<1x1x640xf32, #tpu.memory_space<vmem_shared>> -> memref<640xf32, #tpu.memory_space<vmem_shared>>
      %dma_wait3A_57 = arith.constant 7040 : i32
      %dma_wait3A_58 = tpu.memref_slice %arg12[%dma_wait3A_57] : memref<10240xf32, #tpu.memory_space<vmem>> -> memref<640xf32, #tpu.memory_space<vmem>>
      tpu.wait_dma2 semaphore(%run_scoped3A_40 : memref<!tpu.dma_semaphore, #tpu.memory_space<semaphore_mem>>) src(%dma_wait3A_58 : memref<640xf32, #tpu.memory_space<vmem>>) dst(%dma_wait3A_56 : memref<640xf32, #tpu.memory_space<vmem_shared>>)
      tpu.yield
    }) : () -> ()
    %run_scoped3A_18 = arith.constant 12 : i32
    "tpu.region"() ({
      %run_scoped3A_40 = tpu.sem_alloc : memref<!tpu.dma_semaphore, #tpu.memory_space<semaphore_mem>>
      %dma_start3A = arith.constant 7680 : i32
      %dma_start3A_41 = tpu.memref_slice %arg12[%dma_start3A] : memref<10240xf32, #tpu.memory_space<vmem>> -> memref<640xf32, #tpu.memory_space<vmem>>
      %dma_start3A_42 = arith.constant 0 : i32
      %dma_start3A_43 = tpu.memref_slice %arg16[%run_scoped3A_18, %arg1, %dma_start3A_42] : memref<16x16x640xf32, #tpu.memory_space<vmem_shared>> -> memref<1x1x640xf32, #tpu.memory_space<vmem_shared>>
      %dma_start3A_44 = tpu.memref_squeeze %dma_start3A_43 : memref<1x1x640xf32, #tpu.memory_space<vmem_shared>> -> memref<640xf32, #tpu.memory_space<vmem_shared>>
      %dma_start3A_45 = arith.constant 0 : i32
      %dma_start3A_46 = tpu.memref_slice %arg16[%run_scoped3A_18, %arg1, %dma_start3A_45] : memref<16x16x640xf32, #tpu.memory_space<vmem_shared>> -> memref<1x1x640xf32, #tpu.memory_space<vmem_shared>>
      %dma_start3A_47 = tpu.memref_squeeze %dma_start3A_46 : memref<1x1x640xf32, #tpu.memory_space<vmem_shared>> -> memref<640xf32, #tpu.memory_space<vmem_shared>>
      %dma_start3A_48 = arith.constant 7680 : i32
      %dma_start3A_49 = tpu.memref_slice %arg12[%dma_start3A_48] : memref<10240xf32, #tpu.memory_space<vmem>> -> memref<640xf32, #tpu.memory_space<vmem>>
      tpu.enqueue_dma source(%dma_start3A_49 : memref<640xf32, #tpu.memory_space<vmem>>) target(%dma_start3A_47 : memref<640xf32, #tpu.memory_space<vmem_shared>>) target_semaphore(%run_scoped3A_40 : memref<!tpu.dma_semaphore, #tpu.memory_space<semaphore_mem>>)
      %dma_wait3A = arith.constant 7680 : i32
      %dma_wait3A_50 = tpu.memref_slice %arg12[%dma_wait3A] : memref<10240xf32, #tpu.memory_space<vmem>> -> memref<640xf32, #tpu.memory_space<vmem>>
      %dma_wait3A_51 = arith.constant 0 : i32
      %dma_wait3A_52 = tpu.memref_slice %arg16[%run_scoped3A_18, %arg1, %dma_wait3A_51] : memref<16x16x640xf32, #tpu.memory_space<vmem_shared>> -> memref<1x1x640xf32, #tpu.memory_space<vmem_shared>>
      %dma_wait3A_53 = tpu.memref_squeeze %dma_wait3A_52 : memref<1x1x640xf32, #tpu.memory_space<vmem_shared>> -> memref<640xf32, #tpu.memory_space<vmem_shared>>
      %dma_wait3A_54 = arith.constant 0 : i32
      %dma_wait3A_55 = tpu.memref_slice %arg16[%run_scoped3A_18, %arg1, %dma_wait3A_54] : memref<16x16x640xf32, #tpu.memory_space<vmem_shared>> -> memref<1x1x640xf32, #tpu.memory_space<vmem_shared>>
      %dma_wait3A_56 = tpu.memref_squeeze %dma_wait3A_55 : memref<1x1x640xf32, #tpu.memory_space<vmem_shared>> -> memref<640xf32, #tpu.memory_space<vmem_shared>>
      %dma_wait3A_57 = arith.constant 7680 : i32
      %dma_wait3A_58 = tpu.memref_slice %arg12[%dma_wait3A_57] : memref<10240xf32, #tpu.memory_space<vmem>> -> memref<640xf32, #tpu.memory_space<vmem>>
      tpu.wait_dma2 semaphore(%run_scoped3A_40 : memref<!tpu.dma_semaphore, #tpu.memory_space<semaphore_mem>>) src(%dma_wait3A_58 : memref<640xf32, #tpu.memory_space<vmem>>) dst(%dma_wait3A_56 : memref<640xf32, #tpu.memory_space<vmem_shared>>)
      tpu.yield
    }) : () -> ()
    %run_scoped3A_19 = arith.constant 13 : i32
    "tpu.region"() ({
      %run_scoped3A_40 = tpu.sem_alloc : memref<!tpu.dma_semaphore, #tpu.memory_space<semaphore_mem>>
      %dma_start3A = arith.constant 8320 : i32
      %dma_start3A_41 = tpu.memref_slice %arg12[%dma_start3A] : memref<10240xf32, #tpu.memory_space<vmem>> -> memref<640xf32, #tpu.memory_space<vmem>>
      %dma_start3A_42 = arith.constant 0 : i32
      %dma_start3A_43 = tpu.memref_slice %arg16[%run_scoped3A_19, %arg1, %dma_start3A_42] : memref<16x16x640xf32, #tpu.memory_space<vmem_shared>> -> memref<1x1x640xf32, #tpu.memory_space<vmem_shared>>
      %dma_start3A_44 = tpu.memref_squeeze %dma_start3A_43 : memref<1x1x640xf32, #tpu.memory_space<vmem_shared>> -> memref<640xf32, #tpu.memory_space<vmem_shared>>
      %dma_start3A_45 = arith.constant 0 : i32
      %dma_start3A_46 = tpu.memref_slice %arg16[%run_scoped3A_19, %arg1, %dma_start3A_45] : memref<16x16x640xf32, #tpu.memory_space<vmem_shared>> -> memref<1x1x640xf32, #tpu.memory_space<vmem_shared>>
      %dma_start3A_47 = tpu.memref_squeeze %dma_start3A_46 : memref<1x1x640xf32, #tpu.memory_space<vmem_shared>> -> memref<640xf32, #tpu.memory_space<vmem_shared>>
      %dma_start3A_48 = arith.constant 8320 : i32
      %dma_start3A_49 = tpu.memref_slice %arg12[%dma_start3A_48] : memref<10240xf32, #tpu.memory_space<vmem>> -> memref<640xf32, #tpu.memory_space<vmem>>
      tpu.enqueue_dma source(%dma_start3A_49 : memref<640xf32, #tpu.memory_space<vmem>>) target(%dma_start3A_47 : memref<640xf32, #tpu.memory_space<vmem_shared>>) target_semaphore(%run_scoped3A_40 : memref<!tpu.dma_semaphore, #tpu.memory_space<semaphore_mem>>)
      %dma_wait3A = arith.constant 8320 : i32
      %dma_wait3A_50 = tpu.memref_slice %arg12[%dma_wait3A] : memref<10240xf32, #tpu.memory_space<vmem>> -> memref<640xf32, #tpu.memory_space<vmem>>
      %dma_wait3A_51 = arith.constant 0 : i32
      %dma_wait3A_52 = tpu.memref_slice %arg16[%run_scoped3A_19, %arg1, %dma_wait3A_51] : memref<16x16x640xf32, #tpu.memory_space<vmem_shared>> -> memref<1x1x640xf32, #tpu.memory_space<vmem_shared>>
      %dma_wait3A_53 = tpu.memref_squeeze %dma_wait3A_52 : memref<1x1x640xf32, #tpu.memory_space<vmem_shared>> -> memref<640xf32, #tpu.memory_space<vmem_shared>>
      %dma_wait3A_54 = arith.constant 0 : i32
      %dma_wait3A_55 = tpu.memref_slice %arg16[%run_scoped3A_19, %arg1, %dma_wait3A_54] : memref<16x16x640xf32, #tpu.memory_space<vmem_shared>> -> memref<1x1x640xf32, #tpu.memory_space<vmem_shared>>
      %dma_wait3A_56 = tpu.memref_squeeze %dma_wait3A_55 : memref<1x1x640xf32, #tpu.memory_space<vmem_shared>> -> memref<640xf32, #tpu.memory_space<vmem_shared>>
      %dma_wait3A_57 = arith.constant 8320 : i32
      %dma_wait3A_58 = tpu.memref_slice %arg12[%dma_wait3A_57] : memref<10240xf32, #tpu.memory_space<vmem>> -> memref<640xf32, #tpu.memory_space<vmem>>
      tpu.wait_dma2 semaphore(%run_scoped3A_40 : memref<!tpu.dma_semaphore, #tpu.memory_space<semaphore_mem>>) src(%dma_wait3A_58 : memref<640xf32, #tpu.memory_space<vmem>>) dst(%dma_wait3A_56 : memref<640xf32, #tpu.memory_space<vmem_shared>>)
      tpu.yield
    }) : () -> ()
    %run_scoped3A_20 = arith.constant 14 : i32
    "tpu.region"() ({
      %run_scoped3A_40 = tpu.sem_alloc : memref<!tpu.dma_semaphore, #tpu.memory_space<semaphore_mem>>
      %dma_start3A = arith.constant 8960 : i32
      %dma_start3A_41 = tpu.memref_slice %arg12[%dma_start3A] : memref<10240xf32, #tpu.memory_space<vmem>> -> memref<640xf32, #tpu.memory_space<vmem>>
      %dma_start3A_42 = arith.constant 0 : i32
      %dma_start3A_43 = tpu.memref_slice %arg16[%run_scoped3A_20, %arg1, %dma_start3A_42] : memref<16x16x640xf32, #tpu.memory_space<vmem_shared>> -> memref<1x1x640xf32, #tpu.memory_space<vmem_shared>>
      %dma_start3A_44 = tpu.memref_squeeze %dma_start3A_43 : memref<1x1x640xf32, #tpu.memory_space<vmem_shared>> -> memref<640xf32, #tpu.memory_space<vmem_shared>>
      %dma_start3A_45 = arith.constant 0 : i32
      %dma_start3A_46 = tpu.memref_slice %arg16[%run_scoped3A_20, %arg1, %dma_start3A_45] : memref<16x16x640xf32, #tpu.memory_space<vmem_shared>> -> memref<1x1x640xf32, #tpu.memory_space<vmem_shared>>
      %dma_start3A_47 = tpu.memref_squeeze %dma_start3A_46 : memref<1x1x640xf32, #tpu.memory_space<vmem_shared>> -> memref<640xf32, #tpu.memory_space<vmem_shared>>
      %dma_start3A_48 = arith.constant 8960 : i32
      %dma_start3A_49 = tpu.memref_slice %arg12[%dma_start3A_48] : memref<10240xf32, #tpu.memory_space<vmem>> -> memref<640xf32, #tpu.memory_space<vmem>>
      tpu.enqueue_dma source(%dma_start3A_49 : memref<640xf32, #tpu.memory_space<vmem>>) target(%dma_start3A_47 : memref<640xf32, #tpu.memory_space<vmem_shared>>) target_semaphore(%run_scoped3A_40 : memref<!tpu.dma_semaphore, #tpu.memory_space<semaphore_mem>>)
      %dma_wait3A = arith.constant 8960 : i32
      %dma_wait3A_50 = tpu.memref_slice %arg12[%dma_wait3A] : memref<10240xf32, #tpu.memory_space<vmem>> -> memref<640xf32, #tpu.memory_space<vmem>>
      %dma_wait3A_51 = arith.constant 0 : i32
      %dma_wait3A_52 = tpu.memref_slice %arg16[%run_scoped3A_20, %arg1, %dma_wait3A_51] : memref<16x16x640xf32, #tpu.memory_space<vmem_shared>> -> memref<1x1x640xf32, #tpu.memory_space<vmem_shared>>
      %dma_wait3A_53 = tpu.memref_squeeze %dma_wait3A_52 : memref<1x1x640xf32, #tpu.memory_space<vmem_shared>> -> memref<640xf32, #tpu.memory_space<vmem_shared>>
      %dma_wait3A_54 = arith.constant 0 : i32
      %dma_wait3A_55 = tpu.memref_slice %arg16[%run_scoped3A_20, %arg1, %dma_wait3A_54] : memref<16x16x640xf32, #tpu.memory_space<vmem_shared>> -> memref<1x1x640xf32, #tpu.memory_space<vmem_shared>>
      %dma_wait3A_56 = tpu.memref_squeeze %dma_wait3A_55 : memref<1x1x640xf32, #tpu.memory_space<vmem_shared>> -> memref<640xf32, #tpu.memory_space<vmem_shared>>
      %dma_wait3A_57 = arith.constant 8960 : i32
      %dma_wait3A_58 = tpu.memref_slice %arg12[%dma_wait3A_57] : memref<10240xf32, #tpu.memory_space<vmem>> -> memref<640xf32, #tpu.memory_space<vmem>>
      tpu.wait_dma2 semaphore(%run_scoped3A_40 : memref<!tpu.dma_semaphore, #tpu.memory_space<semaphore_mem>>) src(%dma_wait3A_58 : memref<640xf32, #tpu.memory_space<vmem>>) dst(%dma_wait3A_56 : memref<640xf32, #tpu.memory_space<vmem_shared>>)
      tpu.yield
    }) : () -> ()
    %run_scoped3A_21 = arith.constant 15 : i32
    "tpu.region"() ({
      %run_scoped3A_40 = tpu.sem_alloc : memref<!tpu.dma_semaphore, #tpu.memory_space<semaphore_mem>>
      %dma_start3A = arith.constant 9600 : i32
      %dma_start3A_41 = tpu.memref_slice %arg12[%dma_start3A] : memref<10240xf32, #tpu.memory_space<vmem>> -> memref<640xf32, #tpu.memory_space<vmem>>
      %dma_start3A_42 = arith.constant 0 : i32
      %dma_start3A_43 = tpu.memref_slice %arg16[%run_scoped3A_21, %arg1, %dma_start3A_42] : memref<16x16x640xf32, #tpu.memory_space<vmem_shared>> -> memref<1x1x640xf32, #tpu.memory_space<vmem_shared>>
      %dma_start3A_44 = tpu.memref_squeeze %dma_start3A_43 : memref<1x1x640xf32, #tpu.memory_space<vmem_shared>> -> memref<640xf32, #tpu.memory_space<vmem_shared>>
      %dma_start3A_45 = arith.constant 0 : i32
      %dma_start3A_46 = tpu.memref_slice %arg16[%run_scoped3A_21, %arg1, %dma_start3A_45] : memref<16x16x640xf32, #tpu.memory_space<vmem_shared>> -> memref<1x1x640xf32, #tpu.memory_space<vmem_shared>>
      %dma_start3A_47 = tpu.memref_squeeze %dma_start3A_46 : memref<1x1x640xf32, #tpu.memory_space<vmem_shared>> -> memref<640xf32, #tpu.memory_space<vmem_shared>>
      %dma_start3A_48 = arith.constant 9600 : i32
      %dma_start3A_49 = tpu.memref_slice %arg12[%dma_start3A_48] : memref<10240xf32, #tpu.memory_space<vmem>> -> memref<640xf32, #tpu.memory_space<vmem>>
      tpu.enqueue_dma source(%dma_start3A_49 : memref<640xf32, #tpu.memory_space<vmem>>) target(%dma_start3A_47 : memref<640xf32, #tpu.memory_space<vmem_shared>>) target_semaphore(%run_scoped3A_40 : memref<!tpu.dma_semaphore, #tpu.memory_space<semaphore_mem>>)
      %dma_wait3A = arith.constant 9600 : i32
      %dma_wait3A_50 = tpu.memref_slice %arg12[%dma_wait3A] : memref<10240xf32, #tpu.memory_space<vmem>> -> memref<640xf32, #tpu.memory_space<vmem>>
      %dma_wait3A_51 = arith.constant 0 : i32
      %dma_wait3A_52 = tpu.memref_slice %arg16[%run_scoped3A_21, %arg1, %dma_wait3A_51] : memref<16x16x640xf32, #tpu.memory_space<vmem_shared>> -> memref<1x1x640xf32, #tpu.memory_space<vmem_shared>>
      %dma_wait3A_53 = tpu.memref_squeeze %dma_wait3A_52 : memref<1x1x640xf32, #tpu.memory_space<vmem_shared>> -> memref<640xf32, #tpu.memory_space<vmem_shared>>
      %dma_wait3A_54 = arith.constant 0 : i32
      %dma_wait3A_55 = tpu.memref_slice %arg16[%run_scoped3A_21, %arg1, %dma_wait3A_54] : memref<16x16x640xf32, #tpu.memory_space<vmem_shared>> -> memref<1x1x640xf32, #tpu.memory_space<vmem_shared>>
      %dma_wait3A_56 = tpu.memref_squeeze %dma_wait3A_55 : memref<1x1x640xf32, #tpu.memory_space<vmem_shared>> -> memref<640xf32, #tpu.memory_space<vmem_shared>>
      %dma_wait3A_57 = arith.constant 9600 : i32
      %dma_wait3A_58 = tpu.memref_slice %arg12[%dma_wait3A_57] : memref<10240xf32, #tpu.memory_space<vmem>> -> memref<640xf32, #tpu.memory_space<vmem>>
      tpu.wait_dma2 semaphore(%run_scoped3A_40 : memref<!tpu.dma_semaphore, #tpu.memory_space<semaphore_mem>>) src(%dma_wait3A_58 : memref<640xf32, #tpu.memory_space<vmem>>) dst(%dma_wait3A_56 : memref<640xf32, #tpu.memory_space<vmem_shared>>)
      tpu.yield
    }) : () -> ()
    %barrier3A_22 = arith.constant 0 : index
    tpu.barrier barrier_id(%barrier3A_22)
    "tpu.region"() ({
      %run_scoped3A_40 = tpu.sem_alloc : memref<!tpu.dma_semaphore, #tpu.memory_space<semaphore_mem>>
      %dma_start3A = arith.constant 0 : i32
      %dma_start3A_41 = arith.constant 0 : i32
      %dma_start3A_42 = tpu.memref_slice %arg16[%arg1, %dma_start3A, %dma_start3A_41] : memref<16x16x640xf32, #tpu.memory_space<vmem_shared>> -> memref<1x16x640xf32, #tpu.memory_space<vmem_shared>>
      %dma_start3A_43 = tpu.memref_squeeze %dma_start3A_42 : memref<1x16x640xf32, #tpu.memory_space<vmem_shared>> -> memref<16x640xf32, #tpu.memory_space<vmem_shared>>
      %dma_start3A_44 = arith.constant 0 : i32
      %dma_start3A_45 = arith.constant 0 : i32
      %dma_start3A_46 = tpu.memref_slice %arg16[%arg1, %dma_start3A_44, %dma_start3A_45] : memref<16x16x640xf32, #tpu.memory_space<vmem_shared>> -> memref<1x16x640xf32, #tpu.memory_space<vmem_shared>>
      %dma_start3A_47 = tpu.memref_squeeze %dma_start3A_46 : memref<1x16x640xf32, #tpu.memory_space<vmem_shared>> -> memref<16x640xf32, #tpu.memory_space<vmem_shared>>
      tpu.enqueue_dma source(%dma_start3A_47 : memref<16x640xf32, #tpu.memory_space<vmem_shared>>) target(%arg13 : memref<16x640xf32, #tpu.memory_space<vmem>>) target_semaphore(%run_scoped3A_40 : memref<!tpu.dma_semaphore, #tpu.memory_space<semaphore_mem>>)
      %dma_wait3A = arith.constant 0 : i32
      %dma_wait3A_48 = arith.constant 0 : i32
      %dma_wait3A_49 = tpu.memref_slice %arg16[%arg1, %dma_wait3A, %dma_wait3A_48] : memref<16x16x640xf32, #tpu.memory_space<vmem_shared>> -> memref<1x16x640xf32, #tpu.memory_space<vmem_shared>>
      %dma_wait3A_50 = tpu.memref_squeeze %dma_wait3A_49 : memref<1x16x640xf32, #tpu.memory_space<vmem_shared>> -> memref<16x640xf32, #tpu.memory_space<vmem_shared>>
      %dma_wait3A_51 = arith.constant 0 : i32
      %dma_wait3A_52 = arith.constant 0 : i32
      %dma_wait3A_53 = tpu.memref_slice %arg16[%arg1, %dma_wait3A_51, %dma_wait3A_52] : memref<16x16x640xf32, #tpu.memory_space<vmem_shared>> -> memref<1x16x640xf32, #tpu.memory_space<vmem_shared>>
      %dma_wait3A_54 = tpu.memref_squeeze %dma_wait3A_53 : memref<1x16x640xf32, #tpu.memory_space<vmem_shared>> -> memref<16x640xf32, #tpu.memory_space<vmem_shared>>
      tpu.wait_dma2 semaphore(%run_scoped3A_40 : memref<!tpu.dma_semaphore, #tpu.memory_space<semaphore_mem>>) src(%dma_wait3A_54 : memref<16x640xf32, #tpu.memory_space<vmem_shared>>) dst(%arg13 : memref<16x640xf32, #tpu.memory_space<vmem>>)
      tpu.yield
    }) : () -> ()
    %scan3A_23 = arith.constant 0 : i32
    %scan3A_24 = arith.constant 0 : i32
    %scan3A_25 = arith.constant 40 : i32
    %scan3A_26 = arith.addi %scan3A_24, %scan3A_25 : i32
    %scan3A_27 = arith.constant 1 : i32
    scf.for %scan3A_40 = %scan3A_24 to %scan3A_26 step %scan3A_27  : i32 {
      %mul3A_41 = arith.constant 16 : i32
      %mul3A_42 = arith.muli %scan3A_40, %mul3A_41 : i32
      %get3A = arith.constant 0 : i32
      %get3A_43 = arith.index_cast %get3A : i32 to index
      %get3A_44 = arith.index_cast %mul3A_42 : i32 to index
      %get3A_45 = tpu.vector_load %arg13[%get3A_43, %get3A_44] {strides = array<i32>} : memref<16x640xf32, #tpu.memory_space<vmem>>, vector<16xf32>,
      %mul3A_46 = arith.constant 16 : i32
      %mul3A_47 = arith.muli %scan3A_40, %mul3A_46 : i32
      %get3A_48 = arith.constant 1 : i32
      %get3A_49 = arith.index_cast %get3A_48 : i32 to index
      %get3A_50 = arith.index_cast %mul3A_47 : i32 to index
      %get3A_51 = tpu.vector_load %arg13[%get3A_49, %get3A_50] {strides = array<i32>} : memref<16x640xf32, #tpu.memory_space<vmem>>, vector<16xf32>,
      %add3A_52 = arith.addf %get3A_45, %get3A_51 : vector<16xf32>
      %mul3A_53 = arith.constant 16 : i32
      %mul3A_54 = arith.muli %scan3A_40, %mul3A_53 : i32
      %get3A_55 = arith.constant 2 : i32
      %get3A_56 = arith.index_cast %get3A_55 : i32 to index
      %get3A_57 = arith.index_cast %mul3A_54 : i32 to index
      %get3A_58 = tpu.vector_load %arg13[%get3A_56, %get3A_57] {strides = array<i32>} : memref<16x640xf32, #tpu.memory_space<vmem>>, vector<16xf32>,
      %add3A_59 = arith.addf %add3A_52, %get3A_58 : vector<16xf32>
      %mul3A_60 = arith.constant 16 : i32
      %mul3A_61 = arith.muli %scan3A_40, %mul3A_60 : i32
      %get3A_62 = arith.constant 3 : i32
      %get3A_63 = arith.index_cast %get3A_62 : i32 to index
      %get3A_64 = arith.index_cast %mul3A_61 : i32 to index
      %get3A_65 = tpu.vector_load %arg13[%get3A_63, %get3A_64] {strides = array<i32>} : memref<16x640xf32, #tpu.memory_space<vmem>>, vector<16xf32>,
      %add3A_66 = arith.addf %add3A_59, %get3A_65 : vector<16xf32>
      %mul3A_67 = arith.constant 16 : i32
      %mul3A_68 = arith.muli %scan3A_40, %mul3A_67 : i32
      %get3A_69 = arith.constant 4 : i32
      %get3A_70 = arith.index_cast %get3A_69 : i32 to index
      %get3A_71 = arith.index_cast %mul3A_68 : i32 to index
      %get3A_72 = tpu.vector_load %arg13[%get3A_70, %get3A_71] {strides = array<i32>} : memref<16x640xf32, #tpu.memory_space<vmem>>, vector<16xf32>,
      %add3A_73 = arith.addf %add3A_66, %get3A_72 : vector<16xf32>
      %mul3A_74 = arith.constant 16 : i32
      %mul3A_75 = arith.muli %scan3A_40, %mul3A_74 : i32
      %get3A_76 = arith.constant 5 : i32
      %get3A_77 = arith.index_cast %get3A_76 : i32 to index
      %get3A_78 = arith.index_cast %mul3A_75 : i32 to index
      %get3A_79 = tpu.vector_load %arg13[%get3A_77, %get3A_78] {strides = array<i32>} : memref<16x640xf32, #tpu.memory_space<vmem>>, vector<16xf32>,
      %add3A_80 = arith.addf %add3A_73, %get3A_79 : vector<16xf32>
      %mul3A_81 = arith.constant 16 : i32
      %mul3A_82 = arith.muli %scan3A_40, %mul3A_81 : i32
      %get3A_83 = arith.constant 6 : i32
      %get3A_84 = arith.index_cast %get3A_83 : i32 to index
      %get3A_85 = arith.index_cast %mul3A_82 : i32 to index
      %get3A_86 = tpu.vector_load %arg13[%get3A_84, %get3A_85] {strides = array<i32>} : memref<16x640xf32, #tpu.memory_space<vmem>>, vector<16xf32>,
      %add3A_87 = arith.addf %add3A_80, %get3A_86 : vector<16xf32>
      %mul3A_88 = arith.constant 16 : i32
      %mul3A_89 = arith.muli %scan3A_40, %mul3A_88 : i32
      %get3A_90 = arith.constant 7 : i32
      %get3A_91 = arith.index_cast %get3A_90 : i32 to index
      %get3A_92 = arith.index_cast %mul3A_89 : i32 to index
      %get3A_93 = tpu.vector_load %arg13[%get3A_91, %get3A_92] {strides = array<i32>} : memref<16x640xf32, #tpu.memory_space<vmem>>, vector<16xf32>,
      %add3A_94 = arith.addf %add3A_87, %get3A_93 : vector<16xf32>
      %mul3A_95 = arith.constant 16 : i32
      %mul3A_96 = arith.muli %scan3A_40, %mul3A_95 : i32
      %get3A_97 = arith.constant 8 : i32
      %get3A_98 = arith.index_cast %get3A_97 : i32 to index
      %get3A_99 = arith.index_cast %mul3A_96 : i32 to index
      %get3A_100 = tpu.vector_load %arg13[%get3A_98, %get3A_99] {strides = array<i32>} : memref<16x640xf32, #tpu.memory_space<vmem>>, vector<16xf32>,
      %add3A_101 = arith.addf %add3A_94, %get3A_100 : vector<16xf32>
      %mul3A_102 = arith.constant 16 : i32
      %mul3A_103 = arith.muli %scan3A_40, %mul3A_102 : i32
      %get3A_104 = arith.constant 9 : i32
      %get3A_105 = arith.index_cast %get3A_104 : i32 to index
      %get3A_106 = arith.index_cast %mul3A_103 : i32 to index
      %get3A_107 = tpu.vector_load %arg13[%get3A_105, %get3A_106] {strides = array<i32>} : memref<16x640xf32, #tpu.memory_space<vmem>>, vector<16xf32>,
      %add3A_108 = arith.addf %add3A_101, %get3A_107 : vector<16xf32>
      %mul3A_109 = arith.constant 16 : i32
      %mul3A_110 = arith.muli %scan3A_40, %mul3A_109 : i32
      %get3A_111 = arith.constant 10 : i32
      %get3A_112 = arith.index_cast %get3A_111 : i32 to index
      %get3A_113 = arith.index_cast %mul3A_110 : i32 to index
      %get3A_114 = tpu.vector_load %arg13[%get3A_112, %get3A_113] {strides = array<i32>} : memref<16x640xf32, #tpu.memory_space<vmem>>, vector<16xf32>,
      %add3A_115 = arith.addf %add3A_108, %get3A_114 : vector<16xf32>
      %mul3A_116 = arith.constant 16 : i32
      %mul3A_117 = arith.muli %scan3A_40, %mul3A_116 : i32
      %get3A_118 = arith.constant 11 : i32
      %get3A_119 = arith.index_cast %get3A_118 : i32 to index
      %get3A_120 = arith.index_cast %mul3A_117 : i32 to index
      %get3A_121 = tpu.vector_load %arg13[%get3A_119, %get3A_120] {strides = array<i32>} : memref<16x640xf32, #tpu.memory_space<vmem>>, vector<16xf32>,
      %add3A_122 = arith.addf %add3A_115, %get3A_121 : vector<16xf32>
      %mul3A_123 = arith.constant 16 : i32
      %mul3A_124 = arith.muli %scan3A_40, %mul3A_123 : i32
      %get3A_125 = arith.constant 12 : i32
      %get3A_126 = arith.index_cast %get3A_125 : i32 to index
      %get3A_127 = arith.index_cast %mul3A_124 : i32 to index
      %get3A_128 = tpu.vector_load %arg13[%get3A_126, %get3A_127] {strides = array<i32>} : memref<16x640xf32, #tpu.memory_space<vmem>>, vector<16xf32>,
      %add3A_129 = arith.addf %add3A_122, %get3A_128 : vector<16xf32>
      %mul3A_130 = arith.constant 16 : i32
      %mul3A_131 = arith.muli %scan3A_40, %mul3A_130 : i32
      %get3A_132 = arith.constant 13 : i32
      %get3A_133 = arith.index_cast %get3A_132 : i32 to index
      %get3A_134 = arith.index_cast %mul3A_131 : i32 to index
      %get3A_135 = tpu.vector_load %arg13[%get3A_133, %get3A_134] {strides = array<i32>} : memref<16x640xf32, #tpu.memory_space<vmem>>, vector<16xf32>,
      %add3A_136 = arith.addf %add3A_129, %get3A_135 : vector<16xf32>
      %mul3A_137 = arith.constant 16 : i32
      %mul3A_138 = arith.muli %scan3A_40, %mul3A_137 : i32
      %get3A_139 = arith.constant 14 : i32
      %get3A_140 = arith.index_cast %get3A_139 : i32 to index
      %get3A_141 = arith.index_cast %mul3A_138 : i32 to index
      %get3A_142 = tpu.vector_load %arg13[%get3A_140, %get3A_141] {strides = array<i32>} : memref<16x640xf32, #tpu.memory_space<vmem>>, vector<16xf32>,
      %add3A_143 = arith.addf %add3A_136, %get3A_142 : vector<16xf32>
      %mul3A_144 = arith.constant 16 : i32
      %mul3A_145 = arith.muli %scan3A_40, %mul3A_144 : i32
      %get3A_146 = arith.constant 15 : i32
      %get3A_147 = arith.index_cast %get3A_146 : i32 to index
      %get3A_148 = arith.index_cast %mul3A_145 : i32 to index
      %get3A_149 = tpu.vector_load %arg13[%get3A_147, %get3A_148] {strides = array<i32>} : memref<16x640xf32, #tpu.memory_space<vmem>>, vector<16xf32>,
      %add3A_150 = arith.addf %add3A_143, %get3A_149 : vector<16xf32>
      %mul3A_151 = arith.constant 16 : i32
      %mul3A_152 = arith.muli %scan3A_40, %mul3A_151 : i32
      %swap3A = arith.index_cast %mul3A_152 : i32 to index
      %swap3A_153 = tpu.vector_load %arg14[%swap3A] {strides = array<i32>} : memref<640xf32, #tpu.memory_space<vmem>>, vector<16xf32>,
      tpu.vector_store %arg14[%swap3A], %add3A_150 {strides = array<i32>} : memref<640xf32, #tpu.memory_space<vmem>>, vector<16xf32>,
    }
    %scan3A_28 = arith.constant 40 : i32
    %mul3A_29 = arith.constant 10240 : i32
    %mul3A_30 = arith.muli %arg0, %mul3A_29 : i32
    %mul3A_31 = arith.constant 640 : i32
    %mul3A_32 = arith.muli %arg1, %mul3A_31 : i32
    %add3A = arith.addi %mul3A_30, %mul3A_32 : i32
    "tpu.region"() ({
      %run_scoped3A_40 = tpu.sem_alloc : memref<!tpu.dma_semaphore, #tpu.memory_space<semaphore_mem>>
      %dma_start3A = tpu.memref_slice %arg8[%add3A] : memref<20480xf32, #tpu.memory_space<hbm>> -> memref<640xf32, #tpu.memory_space<hbm>>
      %dma_start3A_41 = tpu.memref_slice %arg8[%add3A] : memref<20480xf32, #tpu.memory_space<hbm>> -> memref<640xf32, #tpu.memory_space<hbm>>
      tpu.enqueue_dma source(%arg14 : memref<640xf32, #tpu.memory_space<vmem>>) target(%dma_start3A_41 : memref<640xf32, #tpu.memory_space<hbm>>) target_semaphore(%run_scoped3A_40 : memref<!tpu.dma_semaphore, #tpu.memory_space<semaphore_mem>>)
      %dma_wait3A = tpu.memref_slice %arg8[%add3A] : memref<20480xf32, #tpu.memory_space<hbm>> -> memref<640xf32, #tpu.memory_space<hbm>>
      %dma_wait3A_42 = tpu.memref_slice %arg8[%add3A] : memref<20480xf32, #tpu.memory_space<hbm>> -> memref<640xf32, #tpu.memory_space<hbm>>
      tpu.wait_dma2 semaphore(%run_scoped3A_40 : memref<!tpu.dma_semaphore, #tpu.memory_space<semaphore_mem>>) src(%arg14 : memref<640xf32, #tpu.memory_space<vmem>>) dst(%dma_wait3A_42 : memref<640xf32, #tpu.memory_space<hbm>>)
      tpu.yield
    }) : () -> ()
    %mul3A_33 = arith.constant 640 : i32
    %mul3A_34 = arith.muli %arg1, %mul3A_33 : i32
    %mul3A_35 = arith.constant 10240 : i32
    %mul3A_36 = arith.muli %arg0, %mul3A_35 : i32
    %mul3A_37 = arith.constant 640 : i32
    %mul3A_38 = arith.muli %arg1, %mul3A_37 : i32
    %add3A_39 = arith.addi %mul3A_36, %mul3A_38 : i32
    "tpu.region"() ({
      %run_scoped3A_40 = tpu.sem_alloc : memref<!tpu.dma_semaphore, #tpu.memory_space<semaphore_mem>>
      %dma_start3A = arith.constant 0 : i32
      %dma_start3A_41 = tpu.memref_slice %arg7[%add3A_39, %dma_start3A] : memref<20480x128xf32, #tpu.memory_space<hbm>> -> memref<640x128xf32, #tpu.memory_space<hbm>>
      %dma_start3A_42 = arith.constant 0 : i32
      %dma_start3A_43 = tpu.memref_slice %arg15[%mul3A_34, %dma_start3A_42] : memref<10240x128xf32, #tpu.memory_space<vmem_shared>> -> memref<640x128xf32, #tpu.memory_space<vmem_shared>>
      tpu.enqueue_dma source(%dma_start3A_43 : memref<640x128xf32, #tpu.memory_space<vmem_shared>>) target(%dma_start3A_41 : memref<640x128xf32, #tpu.memory_space<hbm>>) target_semaphore(%run_scoped3A_40 : memref<!tpu.dma_semaphore, #tpu.memory_space<semaphore_mem>>)
      %dma_wait3A = arith.constant 0 : i32
      %dma_wait3A_44 = tpu.memref_slice %arg7[%add3A_39, %dma_wait3A] : memref<20480x128xf32, #tpu.memory_space<hbm>> -> memref<640x128xf32, #tpu.memory_space<hbm>>
      %dma_wait3A_45 = arith.constant 0 : i32
      %dma_wait3A_46 = tpu.memref_slice %arg15[%mul3A_34, %dma_wait3A_45] : memref<10240x128xf32, #tpu.memory_space<vmem_shared>> -> memref<640x128xf32, #tpu.memory_space<vmem_shared>>
      tpu.wait_dma2 semaphore(%run_scoped3A_40 : memref<!tpu.dma_semaphore, #tpu.memory_space<semaphore_mem>>) src(%dma_wait3A_46 : memref<640x128xf32, #tpu.memory_space<vmem_shared>>) dst(%dma_wait3A_44 : memref<640x128xf32, #tpu.memory_space<hbm>>)
      tpu.yield
    }) : () -> ()
    return
  }
}

#map = affine_map<(d0, d1) -> (0, 0)>
#map1 = affine_map<(d0, d1) -> (0, 0, 0, 0)>
module attributes {stable_mosaic.version = 14 : i64} {
  func.func @_sc_agg_body(%arg0: i32, %arg1: i32, %arg2: memref<10016x128xf32, #tpu.memory_space<hbm>>, %arg3: memref<2x16x79x128xi32, #tpu.memory_space<hbm>>, %arg4: memref<2x16x79x128xi32, #tpu.memory_space<hbm>>, %arg5: memref<640x128xf32, #tpu.memory_space<hbm>>, %arg6: memref<20480x128xf32, #tpu.memory_space<hbm>>, %arg7: memref<128xi32, #tpu.memory_space<vmem>>, %arg8: memref<128xi32, #tpu.memory_space<vmem>>, %arg9: memref<128x128xf32, #tpu.memory_space<vmem>>, %arg10: memref<10240x128xf32, #tpu.memory_space<vmem_shared>>, %arg11: memref<!tpu.dma_semaphore, #tpu.memory_space<semaphore_mem>>, %arg12: memref<!tpu.dma_semaphore, #tpu.memory_space<semaphore_mem>>) attributes {dimension_semantics = [#tpu.dimension_semantics<core_parallel>, #tpu.dimension_semantics<subcore_parallel>], iteration_bounds = array<i64: 2, 16>, scalar_prefetch = 0 : i64, scratch_operands = 6 : i64, tpu.core_type = #tpu.core_type<sc_vector_subcore>, window_params = [{transform_indices = #map}, {transform_indices = #map1}, {transform_indices = #map1}, {transform_indices = #map}, {transform_indices = #map}]} {
    %mul3A = arith.constant 640 : i32
    %mul3A_0 = arith.muli %arg1, %mul3A : i32
    "tpu.region"() ({
      %run_scoped3A = tpu.sem_alloc : memref<!tpu.dma_semaphore, #tpu.memory_space<semaphore_mem>>
      %dma_start3A = arith.constant 0 : i32
      %dma_start3A_14 = tpu.memref_slice %arg10[%mul3A_0, %dma_start3A] : memref<10240x128xf32, #tpu.memory_space<vmem_shared>> -> memref<640x128xf32, #tpu.memory_space<vmem_shared>>
      tpu.enqueue_dma source(%arg5 : memref<640x128xf32, #tpu.memory_space<hbm>>) target(%dma_start3A_14 : memref<640x128xf32, #tpu.memory_space<vmem_shared>>) target_semaphore(%run_scoped3A : memref<!tpu.dma_semaphore, #tpu.memory_space<semaphore_mem>>)
      %dma_wait3A = arith.constant 0 : i32
      %dma_wait3A_15 = tpu.memref_slice %arg10[%mul3A_0, %dma_wait3A] : memref<10240x128xf32, #tpu.memory_space<vmem_shared>> -> memref<640x128xf32, #tpu.memory_space<vmem_shared>>
      tpu.wait_dma2 semaphore(%run_scoped3A : memref<!tpu.dma_semaphore, #tpu.memory_space<semaphore_mem>>) src(%arg5 : memref<640x128xf32, #tpu.memory_space<hbm>>) dst(%dma_wait3A_15 : memref<640x128xf32, #tpu.memory_space<vmem_shared>>)
      tpu.yield
    }) : () -> ()
    %barrier3A = arith.constant 0 : index
    tpu.barrier barrier_id(%barrier3A)
    %broadcast_in_dim3A = arith.constant 1.000000e+00 : f32
    %broadcast_in_dim3A_1 = vector.broadcast %broadcast_in_dim3A : f32 to vector<16xf32>
    %scan3A = arith.constant 0 : i32
    %scan3A_2 = arith.constant 0 : i32
    %scan3A_3 = arith.constant 79 : i32
    %scan3A_4 = arith.addi %scan3A_2, %scan3A_3 : i32
    %scan3A_5 = arith.constant 1 : i32
    scf.for %scan3A_14 = %scan3A_2 to %scan3A_4 step %scan3A_5  : i32 {
      "tpu.region"() ({
        %run_scoped3A = tpu.sem_alloc : memref<!tpu.dma_semaphore, #tpu.memory_space<semaphore_mem>>
        %dma_start3A_25 = arith.constant 0 : i32
        %dma_start3A_26 = tpu.memref_slice %arg3[%arg0, %arg1, %scan3A_14, %dma_start3A_25] : memref<2x16x79x128xi32, #tpu.memory_space<hbm>> -> memref<1x1x1x128xi32, #tpu.memory_space<hbm>>
        %dma_start3A_27 = tpu.memref_squeeze %dma_start3A_26 : memref<1x1x1x128xi32, #tpu.memory_space<hbm>> -> memref<128xi32, #tpu.memory_space<hbm>>
        %dma_start3A_28 = arith.constant 0 : i32
        %dma_start3A_29 = tpu.memref_slice %arg3[%arg0, %arg1, %scan3A_14, %dma_start3A_28] : memref<2x16x79x128xi32, #tpu.memory_space<hbm>> -> memref<1x1x1x128xi32, #tpu.memory_space<hbm>>
        %dma_start3A_30 = tpu.memref_squeeze %dma_start3A_29 : memref<1x1x1x128xi32, #tpu.memory_space<hbm>> -> memref<128xi32, #tpu.memory_space<hbm>>
        tpu.enqueue_dma source(%dma_start3A_30 : memref<128xi32, #tpu.memory_space<hbm>>) target(%arg7 : memref<128xi32, #tpu.memory_space<vmem>>) target_semaphore(%run_scoped3A : memref<!tpu.dma_semaphore, #tpu.memory_space<semaphore_mem>>)
        %dma_wait3A_31 = arith.constant 0 : i32
        %dma_wait3A_32 = tpu.memref_slice %arg3[%arg0, %arg1, %scan3A_14, %dma_wait3A_31] : memref<2x16x79x128xi32, #tpu.memory_space<hbm>> -> memref<1x1x1x128xi32, #tpu.memory_space<hbm>>
        %dma_wait3A_33 = tpu.memref_squeeze %dma_wait3A_32 : memref<1x1x1x128xi32, #tpu.memory_space<hbm>> -> memref<128xi32, #tpu.memory_space<hbm>>
        %dma_wait3A_34 = arith.constant 0 : i32
        %dma_wait3A_35 = tpu.memref_slice %arg3[%arg0, %arg1, %scan3A_14, %dma_wait3A_34] : memref<2x16x79x128xi32, #tpu.memory_space<hbm>> -> memref<1x1x1x128xi32, #tpu.memory_space<hbm>>
        %dma_wait3A_36 = tpu.memref_squeeze %dma_wait3A_35 : memref<1x1x1x128xi32, #tpu.memory_space<hbm>> -> memref<128xi32, #tpu.memory_space<hbm>>
        tpu.wait_dma2 semaphore(%run_scoped3A : memref<!tpu.dma_semaphore, #tpu.memory_space<semaphore_mem>>) src(%dma_wait3A_36 : memref<128xi32, #tpu.memory_space<hbm>>) dst(%arg7 : memref<128xi32, #tpu.memory_space<vmem>>)
        tpu.yield
      }) : () -> ()
      "tpu.region"() ({
        %run_scoped3A = tpu.sem_alloc : memref<!tpu.dma_semaphore, #tpu.memory_space<semaphore_mem>>
        %dma_start3A_25 = arith.constant 0 : i32
        %dma_start3A_26 = tpu.memref_slice %arg4[%arg0, %arg1, %scan3A_14, %dma_start3A_25] : memref<2x16x79x128xi32, #tpu.memory_space<hbm>> -> memref<1x1x1x128xi32, #tpu.memory_space<hbm>>
        %dma_start3A_27 = tpu.memref_squeeze %dma_start3A_26 : memref<1x1x1x128xi32, #tpu.memory_space<hbm>> -> memref<128xi32, #tpu.memory_space<hbm>>
        %dma_start3A_28 = arith.constant 0 : i32
        %dma_start3A_29 = tpu.memref_slice %arg4[%arg0, %arg1, %scan3A_14, %dma_start3A_28] : memref<2x16x79x128xi32, #tpu.memory_space<hbm>> -> memref<1x1x1x128xi32, #tpu.memory_space<hbm>>
        %dma_start3A_30 = tpu.memref_squeeze %dma_start3A_29 : memref<1x1x1x128xi32, #tpu.memory_space<hbm>> -> memref<128xi32, #tpu.memory_space<hbm>>
        tpu.enqueue_dma source(%dma_start3A_30 : memref<128xi32, #tpu.memory_space<hbm>>) target(%arg8 : memref<128xi32, #tpu.memory_space<vmem>>) target_semaphore(%run_scoped3A : memref<!tpu.dma_semaphore, #tpu.memory_space<semaphore_mem>>)
        %dma_wait3A_31 = arith.constant 0 : i32
        %dma_wait3A_32 = tpu.memref_slice %arg4[%arg0, %arg1, %scan3A_14, %dma_wait3A_31] : memref<2x16x79x128xi32, #tpu.memory_space<hbm>> -> memref<1x1x1x128xi32, #tpu.memory_space<hbm>>
        %dma_wait3A_33 = tpu.memref_squeeze %dma_wait3A_32 : memref<1x1x1x128xi32, #tpu.memory_space<hbm>> -> memref<128xi32, #tpu.memory_space<hbm>>
        %dma_wait3A_34 = arith.constant 0 : i32
        %dma_wait3A_35 = tpu.memref_slice %arg4[%arg0, %arg1, %scan3A_14, %dma_wait3A_34] : memref<2x16x79x128xi32, #tpu.memory_space<hbm>> -> memref<1x1x1x128xi32, #tpu.memory_space<hbm>>
        %dma_wait3A_36 = tpu.memref_squeeze %dma_wait3A_35 : memref<1x1x1x128xi32, #tpu.memory_space<hbm>> -> memref<128xi32, #tpu.memory_space<hbm>>
        tpu.wait_dma2 semaphore(%run_scoped3A : memref<!tpu.dma_semaphore, #tpu.memory_space<semaphore_mem>>) src(%dma_wait3A_36 : memref<128xi32, #tpu.memory_space<hbm>>) dst(%arg8 : memref<128xi32, #tpu.memory_space<vmem>>)
        tpu.yield
      }) : () -> ()
      %dma_start3A = arith.constant 0 : i32
      %dma_start3A_15 = arith.constant 0 : i32
      %dma_start3A_16 = tpu.memref_slice %arg2[%dma_start3A, %dma_start3A_15] : memref<10016x128xf32, #tpu.memory_space<hbm>> -> memref<10016x128xf32, #tpu.memory_space<hbm>>
      tpu.enqueue_indirect_dma source(%dma_start3A_16 : memref<10016x128xf32, #tpu.memory_space<hbm>>) target(%arg9 : memref<128x128xf32, #tpu.memory_space<vmem>>) offsets(%arg7 : memref<128xi32, #tpu.memory_space<vmem>>) semaphore(%arg11 : memref<!tpu.dma_semaphore, #tpu.memory_space<semaphore_mem>>)
      %dma_wait3A = arith.constant 0 : i32
      %dma_wait3A_17 = arith.constant 0 : i32
      %dma_wait3A_18 = tpu.memref_slice %arg2[%dma_wait3A, %dma_wait3A_17] : memref<10016x128xf32, #tpu.memory_space<hbm>> -> memref<10016x128xf32, #tpu.memory_space<hbm>>
      tpu.wait_indirect_dma semaphore(%arg11 : memref<!tpu.dma_semaphore, #tpu.memory_space<semaphore_mem>>) src(%dma_wait3A_18 : memref<10016x128xf32, #tpu.memory_space<hbm>>) dst(%arg9 : memref<128x128xf32, #tpu.memory_space<vmem>>)
      %dma_start3A_19 = arith.constant 0 : i32
      %dma_start3A_20 = arith.constant 0 : i32
      %dma_start3A_21 = tpu.memref_slice %arg10[%dma_start3A_19, %dma_start3A_20] : memref<10240x128xf32, #tpu.memory_space<vmem_shared>> -> memref<10240x128xf32, #tpu.memory_space<vmem_shared>>
      tpu.enqueue_indirect_dma source(%arg9 : memref<128x128xf32, #tpu.memory_space<vmem>>) target(%dma_start3A_21 : memref<10240x128xf32, #tpu.memory_space<vmem_shared>>) offsets(%arg8 : memref<128xi32, #tpu.memory_space<vmem>>) semaphore(%arg12 : memref<!tpu.dma_semaphore, #tpu.memory_space<semaphore_mem>>) {add = true}
      %dma_wait3A_22 = arith.constant 0 : i32
      %dma_wait3A_23 = arith.constant 0 : i32
      %dma_wait3A_24 = tpu.memref_slice %arg10[%dma_wait3A_22, %dma_wait3A_23] : memref<10240x128xf32, #tpu.memory_space<vmem_shared>> -> memref<10240x128xf32, #tpu.memory_space<vmem_shared>>
      tpu.wait_indirect_dma semaphore(%arg12 : memref<!tpu.dma_semaphore, #tpu.memory_space<semaphore_mem>>) src(%arg9 : memref<128x128xf32, #tpu.memory_space<vmem>>) dst(%dma_wait3A_24 : memref<10240x128xf32, #tpu.memory_space<vmem_shared>>)
    }
    %scan3A_6 = arith.constant 79 : i32
    %barrier3A_7 = arith.constant 0 : index
    tpu.barrier barrier_id(%barrier3A_7)
    %mul3A_8 = arith.constant 640 : i32
    %mul3A_9 = arith.muli %arg1, %mul3A_8 : i32
    %mul3A_10 = arith.constant 10240 : i32
    %mul3A_11 = arith.muli %arg0, %mul3A_10 : i32
    %mul3A_12 = arith.constant 640 : i32
    %mul3A_13 = arith.muli %arg1, %mul3A_12 : i32
    %add3A = arith.addi %mul3A_11, %mul3A_13 : i32
    "tpu.region"() ({
      %run_scoped3A = tpu.sem_alloc : memref<!tpu.dma_semaphore, #tpu.memory_space<semaphore_mem>>
      %dma_start3A = arith.constant 0 : i32
      %dma_start3A_14 = tpu.memref_slice %arg6[%add3A, %dma_start3A] : memref<20480x128xf32, #tpu.memory_space<hbm>> -> memref<640x128xf32, #tpu.memory_space<hbm>>
      %dma_start3A_15 = arith.constant 0 : i32
      %dma_start3A_16 = tpu.memref_slice %arg10[%mul3A_9, %dma_start3A_15] : memref<10240x128xf32, #tpu.memory_space<vmem_shared>> -> memref<640x128xf32, #tpu.memory_space<vmem_shared>>
      tpu.enqueue_dma source(%dma_start3A_16 : memref<640x128xf32, #tpu.memory_space<vmem_shared>>) target(%dma_start3A_14 : memref<640x128xf32, #tpu.memory_space<hbm>>) target_semaphore(%run_scoped3A : memref<!tpu.dma_semaphore, #tpu.memory_space<semaphore_mem>>)
      %dma_wait3A = arith.constant 0 : i32
      %dma_wait3A_17 = tpu.memref_slice %arg6[%add3A, %dma_wait3A] : memref<20480x128xf32, #tpu.memory_space<hbm>> -> memref<640x128xf32, #tpu.memory_space<hbm>>
      %dma_wait3A_18 = arith.constant 0 : i32
      %dma_wait3A_19 = tpu.memref_slice %arg10[%mul3A_9, %dma_wait3A_18] : memref<10240x128xf32, #tpu.memory_space<vmem_shared>> -> memref<640x128xf32, #tpu.memory_space<vmem_shared>>
      tpu.wait_dma2 semaphore(%run_scoped3A : memref<!tpu.dma_semaphore, #tpu.memory_space<semaphore_mem>>) src(%dma_wait3A_19 : memref<640x128xf32, #tpu.memory_space<vmem_shared>>) dst(%dma_wait3A_17 : memref<640x128xf32, #tpu.memory_space<hbm>>)
      tpu.yield
    }) : () -> ()
    return
  }
}

module attributes {stable_mosaic.version = 14 : i64} {
  func.func @_tc_matmul_body(%arg0: i32, %arg1: memref<400x128xf32, #tpu.memory_space<vmem>>, %arg2: memref<128x256xf32, #tpu.memory_space<vmem>>, %arg3: memref<400x256xf32, #tpu.memory_space<vmem>>) attributes {dimension_semantics = [#tpu.dimension_semantics<arbitrary>], iteration_bounds = array<i64: 25>, scalar_prefetch = 0 : i64, scratch_operands = 0 : i64, tpu.core_type = #tpu.core_type<tc>, window_params = [{transform_indices = @transform_0, window_bounds = array<i64: 400, 128>}, {pipeline_mode = #tpu.pipeline_mode<synchronous>, transform_indices = @transform_1, window_bounds = array<i64: 128, 256>}, {transform_indices = @transform_2, window_bounds = array<i64: 400, 256>}]} {
    %get3A = arith.constant 0 : index
    %get3A_0 = arith.constant 0 : index
    %get3A_1 = vector.load %arg1[%get3A, %get3A_0] : memref<400x128xf32, #tpu.memory_space<vmem>>, vector<400x128xf32>
    %get3A_2 = arith.constant 0 : index
    %get3A_3 = arith.constant 0 : index
    %get3A_4 = vector.load %arg2[%get3A_2, %get3A_3] : memref<128x256xf32, #tpu.memory_space<vmem>>, vector<128x256xf32>
    %dot_general3A = arith.constant dense<0.000000e+00> : vector<400x256xf32>
    %dot_general3A_5 = tpu.matmul %get3A_1, %get3A_4, %dot_general3A {dimension_numbers = #tpu.dot_dimension_numbers<[1], [0], [0], [1], [0, 0, 1, 1], [], []>, transpose_lhs_hint = false} : vector<400x128xf32>, vector<128x256xf32>, vector<400x256xf32> -> vector<400x256xf32>
    %swap3A = arith.constant 0 : index
    %swap3A_6 = arith.constant 0 : index
    %swap3A_7 = vector.load %arg3[%swap3A, %swap3A_6] : memref<400x256xf32, #tpu.memory_space<vmem>>, vector<400x256xf32>
    tpu.vector_store %arg3[%swap3A, %swap3A_6], %dot_general3A_5 {strides = array<i32>} : memref<400x256xf32, #tpu.memory_space<vmem>>, vector<400x256xf32>,
    return
  }
  func.func @transform_0(%arg0: i32) -> (i32, i32) {
    %c0_i32 = arith.constant 0 : i32
    %c0_i32_0 = arith.constant 0 : i32
    return %arg0, %c0_i32 : i32, i32
  }
  func.func @transform_1(%arg0: i32) -> (i32, i32) {
    %c0_i32 = arith.constant 0 : i32
    %c0_i32_0 = arith.constant 0 : i32
    %c0_i32_1 = arith.constant 0 : i32
    return %c0_i32, %c0_i32_0 : i32, i32
  }
  func.func @transform_2(%arg0: i32) -> (i32, i32) {
    %c0_i32 = arith.constant 0 : i32
    %c0_i32_0 = arith.constant 0 : i32
    return %arg0, %c0_i32 : i32, i32
  }
}

</mosaic_0001>

<sc_bundles>
// kernel: kernel.6.cloned.1.call-start
scs
__scs_entry_jumppad:
0x0: {  	(pc) =	sbr.rel $0x88, $3  }
0x1: {  	(tag) =	ssettag $0x0;
	lr =	simm.s32 $0x1  }
0x2: {  	[smem:$0x3F99] =	sst lr;
	_ =	strace $0xD0000000  }
0x3: {  	_ = 	snop  }
0x4: {  	_ = 	snop  }
0x5: {  	_ = 	snop  }
0x6: {  	_ = 	snop  }
0x7: {  	_ = 	snop  }
__scs_overlays_trampoline_lowered:
0x8: {  	[smem:$0x3FA8] =	sst s0  }
0x9: {  	[smem:$0x3FA9] =	sst s1  }
0xa: {  	[smem:$0x3FAA] =	sst s2  }
0xb: {  	[smem:$0x3FAB] =	sst s3  }
0xc: {  	[smem:$0x3FAC] =	sst s4  }
0xd: {  	[smem:$0x3FAD] =	sst s5  }
0xe: {  	[smem:$0x3FAE] =	sst s6  }
0xf: {  	[smem:$0x3FAF] =	sst s7  }
0x10: {  	[smem:$0x3FB0] =	sst s8  }
0x11: {  	[smem:$0x3FB1] =	sst s9;
	s0 =	simm.s32 @!p0 $0x0  }
0x12: {  	s1 =	sld [smem:$0x3F97];
	s0 =	simm.s32 @p0 $0x1  }
0x13: {  	[smem:$0x3FB2] =	sst s0;
	s0 =	simm.s32 @!p1 $0x0  }
0x14: {  	s2 =	sld [smem:$0x3F96];
	s0 =	simm.s32 @p1 $0x1  }
0x15: {  	[smem:$0x3FB3] =	sst s0;
	s0 =	simm.s32 @!p2 $0x0  }
0x16: {  	s3 =	sld [smem:$0x3FDB];
	s0 =	simm.s32 @p2 $0x1  }
0x17: {  	s4 =	simm.s32 $0x1BF5;
	[smem:$0x3FB5] =	sst s0  }
0x18: {  	s0 =	sld [smem:$0x3F98];
	_ =	swait.ge [sflag:s4], $0x0  }
0x19: {  	s7 =	sld [smem:$0x3F99]  }
0x1a: {  	s8 =	sadd.s32 $0xFFFFE003, lr  }
0x1b: {  	s9 =	sadd.s32 $0xFFFFFEF7, lr;
	s5 =	simm.s32 $0xFFFFFFFF;
	p2 =	slt.u32 s8, $0xFFFFF086  }
0x1c: {  	p1 =	slt.u32 s9, $0xF7A;
	s5 =	simm.s32 @!p2 $0x0  }
0x1d: {  	s5 =	simm.s32 @p1 $0x1;
	p0 =	seq.s32 s7, s2  }
0x1e: {  	s7 =	smul.u32 @!p0 $0xF7A, s2;
	p2 =	seq.s32 @!p0 s5, $0x0  }
0x1f: {  	s9 =	smul.u32 $0xF7A, s1;
	s8 =	simm.s32 @!p0 $0x1BF5;
	p2 =	por !p2, p0  }
0x20: {  	[sflag:s8] =	ssyncset.s32 @!p0 $0xFFFFF086;
	s6 =	sadd.s32 @!p0 s3, s7;
	s7 =	simm.s32 @!p0 $0x108  }
0x21: {  	s3 =	sadd.s32 s3, s9;
	s6 =	sadd.s32 @!p0 $0x88, s6;
	s7 =	simm.s32 @p2 $0x1082  }
0x22: {  	[simem:s7], [sflag:s8] =	dma.local @!p0 [hbm:s6], $0xF7A  }
0x23: {  	s9 =	sor.u32 $0xD0000000, s2;
	s6 =	simm.s32 $0x108;
	_ =	swait.ge @!p0 [sflag:s8], $0x0  }
0x24: {  	s3 =	sadd.s32 $0x88, s3;
	s6 =	simm.s32 @!p1 $0x1082;
	[sflag:s4] =	ssyncset.s32 $0xFFFFF086  }
0x25: {  	[simem:s6], [sflag:s4] =	dma.local [hbm:s3], $0xF7A  }
0x26: {  	[smem:$0x3F99] =	sst s1;
	(tag) =	ssettag s2;
	_ =	strace s9  }
0x27: {  	s1 =	sld [smem:$0x3FA9]  }
0x28: {  	s2 =	sld [smem:$0x3FAA]  }
0x29: {  	s4 =	sld [smem:$0x3FAC]  }
0x2a: {  	p0 =	seq.s32 s5, $0x0;
	s5 =	sld [smem:$0x3FAD]  }
0x2b: {  	s6 =	sld [smem:$0x3FAE]  }
0x2c: {  	s7 =	sld [smem:$0x3FAF]  }
0x2d: {  	s3 =	simm.s32 $0x108;
	s8 =	sld [smem:$0x3FB0]  }
0x2e: {  	s3 =	simm.s32 @!p0 $0x1082;
	s9 =	sld [smem:$0x3FB1]  }
0x2f: {  	lr =	sadd.s32 s0, s3;
	s0 =	sld [smem:$0x3FA8]  }
0x30: {  	s3 =	sld [smem:$0x3FAB]  }
0x31: {  	[smem:$0x3FB4] =	sst s10  }
0x32: {  	s10 =	sld [smem:$0x3FB2];
	_ =	sdelay $0x3  }
0x33: {  	p0 =	seq.s32 s10, $0x1;
	s10 =	sld [smem:$0x3FB4];
	_ =	sdelay $0x3  }
0x34: {  	[smem:$0x3FB4] =	sst s10  }
0x35: {  	s10 =	sld [smem:$0x3FB3];
	_ =	sdelay $0x3  }
0x36: {  	p1 =	seq.s32 s10, $0x1;
	s10 =	sld [smem:$0x3FB4];
	_ =	sdelay $0x3  }
0x37: {  	[smem:$0x3FB4] =	sst s10  }
0x38: {  	s10 =	sld [smem:$0x3FB5]  }
0x39: {  	_ = 	snop;
	(pc) =	sbr.ind lr, $3  }
0x3a: {  	_ = 	snop  }
0x3b: {  	_ = 	snop  }
0x3c: {  	p2 =	seq.s32 s10, $0x1;
	s10 =	sld [smem:$0x3FB4]  }
0x3d: {  	_ =	shalt  }
0x3e: {  	_ =	shalt  }
0x3f: {  	_ =	shalt  }
0x40: {  	_ =	shalt  }
0x41: {  	_ =	shalt  }
0x42: {  	_ =	shalt  }
0x43: {  	_ =	shalt  }
0x44: {  	_ =	shalt  }
0x45: {  	_ =	shalt  }
0x46: {  	_ =	shalt  }
0x47: {  	_ =	shalt  }
0x48: {  	_ =	shalt  }
0x49: {  	_ =	shalt  }
0x4a: {  	_ =	shalt  }
0x4b: {  	_ =	shalt  }
0x4c: {  	_ =	shalt  }
0x4d: {  	_ =	shalt  }
0x4e: {  	_ =	shalt  }
0x4f: {  	_ =	shalt  }
0x50: {  	_ =	shalt  }
0x51: {  	_ =	shalt  }
0x52: {  	_ =	shalt  }
0x53: {  	_ =	shalt  }
0x54: {  	_ =	shalt  }
0x55: {  	_ =	shalt  }
0x56: {  	_ =	shalt  }
0x57: {  	_ =	shalt  }
0x58: {  	_ =	shalt  }
0x59: {  	_ =	shalt  }
0x5a: {  	_ =	shalt  }
0x5b: {  	_ =	shalt  }
0x5c: {  	_ =	shalt  }
0x5d: {  	_ =	shalt  }
0x5e: {  	_ =	shalt  }
0x5f: {  	_ =	shalt  }
0x60: {  	_ =	shalt  }
0x61: {  	_ =	shalt  }
0x62: {  	_ =	shalt  }
0x63: {  	_ =	shalt  }
0x64: {  	_ =	shalt  }
0x65: {  	_ =	shalt  }
0x66: {  	_ =	shalt  }
0x67: {  	_ =	shalt  }
0x68: {  	_ =	shalt  }
0x69: {  	_ =	shalt  }
0x6a: {  	_ =	shalt  }
0x6b: {  	_ =	shalt  }
0x6c: {  	_ =	shalt  }
0x6d: {  	_ =	shalt  }
0x6e: {  	_ =	shalt  }
0x6f: {  	_ =	shalt  }
0x70: {  	_ =	shalt  }
0x71: {  	_ =	shalt  }
0x72: {  	_ =	shalt  }
0x73: {  	_ =	shalt  }
0x74: {  	_ =	shalt  }
0x75: {  	_ =	shalt  }
0x76: {  	_ =	shalt  }
0x77: {  	_ =	shalt  }
0x78: {  	_ =	shalt  }
0x79: {  	_ =	shalt  }
0x7a: {  	_ =	shalt  }
0x7b: {  	_ =	shalt  }
0x7c: {  	_ =	shalt  }
0x7d: {  	_ =	shalt  }
0x7e: {  	_ =	shalt  }
0x7f: {  	_ =	shalt  }
0x80: {  	_ =	shalt  }
0x81: {  	_ =	shalt  }
0x82: {  	_ =	shalt  }
0x83: {  	_ =	shalt  }
0x84: {  	_ =	shalt  }
0x85: {  	_ =	shalt  }
0x86: {  	_ =	shalt  }
0x87: {  	_ =	shalt  }
.Lfunc_end0:
.L_simem_size_0:
called_computation_lowered:
.L_overlay_start_0:
0x88: {  	s2 =	sld [smem:$0x3FD9]  }
0x89: {  	s3 =	sld [smem:$0x3FFE];
	_ =	sdelay $0x1  }
0x8a: {  	s1 =	srdreg.scid  }
0x8b: {  	s0 =	sand.u32 $0x1, s1  }
0x8c: {  	s17 =	sshll.u32 s0, $0xA;
	s2 =	sadd.s32 s3, s2  }
0x8d: {  	s2 =	sadd.s32 s2, s17  }
0x8e: {  	[smem:$0x3FC0] =	sst s2  }
0x8f: {  	_ = 	snop  }
0x90: {  	s2 =	sld [smem:$0x3FD0];
	(tm) =	ssettm $0x1  }
0x91: {  	s18 =	sld [smem:$0x3FFB];
	_ =	sdelay $0x3  }
0x92: {  	_ =	strace s18  }
0x93: {  	s3 =	sld [smem:$0x3FFC];
	_ =	sdelay $0x3  }
0x94: {  	_ =	strace s3  }
0x95: {  	s3 =	sld [smem:$0x3FFD];
	_ =	sdelay $0x3  }
0x96: {  	_ =	strace s3  }
0x97: {  	_ =	strace $0x8FFFFFFF  }
0x98: {  	s19 =	sld [smem:$0x3FDB];
	_ =	sdelay $0x1  }
0x99: {  	s4 =	simm.s32 $_scs_section_size  }
0x9a: {  	s5 =	simm.s32 $_size__tile_overlayer_lowered;
	s6 =	simm.s32 $_tile_overlayer_lowered  }
0x9b: {  	s22 =	simm.s32 $0x1BFF;
	s21 =	sshll.u32 s6, $0x1;
	s3 =	sadd.s32 s4, s19  }
0x9c: {  	s7 =	simm.s32 $0x0;
	s20 =	sshll.u32 s5, $0x1;
	s5 =	sadd.s32 s21, s3  }
0x9d: {  	[timem:s7], [sflag:s22] =	dma.local [hbm:s5], s20  }
0x9e: {  	_ =	swait.ge [sflag:s22], s20  }
0x9f: {  	s4 =	ssub.s32 $0x0, s20;
	[sflag:s22] =	ssyncset.done $0x0  }
0xa0: {  	[sflag:s22] =	ssyncadd.s32 s4;
	_ =	sdelay $0x1  }
0xa1: {  	s23 =	simm.s32 $0x1B8B  }
0xa2: {  	_ =	swait.ge [sflag:s23], $0x1  }
0xa3: {  	[sflag:s23] =	ssyncset.done $0x0  }
0xa4: {  	s25 =	simm.s32 $0x1B8E;
	s24 =	sld [smem:$0x3FFE];
	[sflag:s23] =	ssyncadd.s32 $0xFFFFFFFF  }
0xa5: {  	s26 =	simm.s32 $execute0_lowered;
	[smem:$0x3FD2] =	sst s25  }
0xa6: {  	s5 =	sshll.u32 s26, $0x1;
	_ =	strace $0x80000046;
	[dreg:$0x1] =	wrdreg $0xFFFFFFFF  }
0xa7: {  	s28 =	simm.s32 $_size_execute0_lowered;
	s3 =	sadd.s32 s3, s5;
	[dreg:$0x0] =	wrdreg $0x0  }
0xa8: {  	s5 =	sshll.u32 s28, $0x1;
	[dreg:$0x2] =	wrdreg s3  }
0xa9: {  	[dreg:$0x3] =	wrdreg s5  }
0xaa: {  	[dreg:$0x4] =	wrdreg $0xC0  }
0xab: {  	_ =	task [dreg:s7], $0x5FFFF  }
0xac: {  	[dreg:$0x1] =	wrdreg $0xFFFFFFFF  }
0xad: {  	[dreg:$0x0] =	wrdreg $0x60  }
0xae: {  	[dreg:$0x2] =	wrdreg s24  }
0xaf: {  	[dreg:$0x3] =	wrdreg s2  }
0xb0: {  	[dreg:$0x4] =	wrdreg $0x93800  }
0xb1: {  	[dreg:$0x5] =	wrdreg $0x1D3800  }
0xb2: {  	[dreg:$0x6] =	wrdreg $0x9  }
0xb3: {  	_ =	task.clear_ibuf [dreg:s7], $0x7FFFF;
	_ =	strace $0x90000046  }
0xb4: {  	s29 =	simm.s32 $0x9;
	_ =	strace $0x80000048  }
0xb5: {  	_ =	swait.ge [sflag:s29], $0x1  }
0xb6: {  	[sflag:s29] =	ssyncadd.s32 $0xFFFFFFFF  }
0xb7: {  	_ =	strace $0x90000048  }
0xb8: {  	_ =	sfence  }
0xb9: {  	s30 =	sld [smem:$0x0];
	_ =	sdelay $0x2  }
0xba: {  	s31 =	sshll.u32 s1, $0xD;
	s1 =	sshrl.u32 s1, $0x2  }
0xbb: {  	s3 =	sand.u32 $0x4000, s31;
	s1 =	sadd.s32 s1, s30  }
0xbc: {  	s0 =	sor.u32 s3, s0;
	s1 =	sshll.u32 s1, $0x11  }
0xbd: {  	s0 =	sor.u32 s1, s0  }
0xbe: {  	s0 =	sadd.s32 $0x8F2B, s0  }
0xbf: {  	[sflag:s0] =	ssyncadd.remote.s32 $0x1  }
0xc0: {  	_ =	sfence.sel $0xFFFF  }
0xc1: {  	[dreg:$0x0] =	wrdreg $0xFFFFFFFF;
	(pc) =	sbr.abs _section_cstart, $3  }
0xc2: {  	[dreg:$0x1] =	wrdreg $0xFFFFFFFF  }
0xc3: {  	_ =	task.clear_ibuf [dreg:s7], $0x2FFFF;
	_ =	strace $0x9FFFFFFF  }
0xc4: {  	(tm) =	ssettm $0x7FFFFFFF  }
0xc5: {  	_ =	shalt  }
tec
execute0_lowered:
.L_overlay_start_1:
0x0: {  	(tag) =	ssettag $0x1  }
0x1: {  	s0 =	rddreg [dreg:$0x0]  }
0x2: {  	s1 =	rddreg [dreg:$0x1]  }
0x3: {  	s3 =	rddreg [dreg:$0x2];
	s15 =	stileid.u32  }
0x4: {  	s2 =	srdreg.scid;
	s5 =	smul.u32 $0x280, s15  }
0x5: {  	s7 =	rddreg [dreg:$0x3];
	s4 =	simm.s32 $0x0;
	s11 =	smul.u32 $0x50000, s15  }
0x6: {  	s2 =	sand.u32 $0x1, s2;
	[smem:$0x7FF] =	sst s4;
	s16 =	smul.u32 $0x2800, s15  }
0x7: {  	s10 =	sadd.s32 $0x32A00, s0;
	s25 =	sadd.s32 $0x35200, s0;
	s20 =	smul.u32 $0xA000, s15  }
0x8: {  	s12 =	sshrl.u32 s15, $0x3;
	s14 =	sshll.u32 s15, $0x7;
	s6 =	smul.u32 $0x2800, s2  }
0x9: {  	_ =	strace $0x80000047;
	[dreg:$0x5] =	wrdreg s10;
	s12 =	smul.u32 $0x5000, s12  }
0xa: {  	[dreg:$0x6] =	wrdreg s25;
	s26 =	ssub.s32 $0x2, s2;
	s2 =	smul.u32 $0x28000, s2  }
0xb: {  	s13 =	sshrl.u32 s26, $0x1;
	s8 =	sadd.s32 s5, s6;
	s5 =	sadd.s32 $0xB800, s0  }
0xc: {  	s6 =	sadd.s32 $0x1800, s0;
	s12 =	sshrl.u32 s12, $0x2;
	s9 =	sshll.u32 s8, $0x4  }
0xd: {  	s8 =	sshrl.u32 s8, $0x3;
	s12 =	sadd.s32 s12, s7;
	s9 =	sadd.s32 s9, s0  }
0xe: {  	s0 =	sadd.s32 s8, s0;
	s8 =	ssub.s32 s26, s13;
	s13 =	sshrl.u32 s11, $0x2  }
0xf: {  	s11 =	sand.u32 $0x380, s14;
	s14 =	sshll.u32 s15, $0x6;
	s10 =	sadd.s32 s13, s3  }
0x10: {  	s15 =	simm.s32 $0x400;
	[dreg:$0x7] =	wrdreg s10;
	s10 =	sadd.s32 s11, s12  }
0x11: {  	s13 =	simm.s32 $0x1;
	s11 =	sor.u32 $0x1C03, s14;
	s17 =	sadd.s32 $0x2800, s10  }
0x12: {  	s12 =	sadd.s32 s16, s2;
	s18 =	sadd.s32 $0x5000, s10;
	[dreg:$0x8] =	wrdreg s17  }
0x13: {  	s2 =	sshrl.u32 s20, $0x2;
	s19 =	sadd.s32 $0x7800, s10;
	[dreg:$0x9] =	wrdreg s18  }
0x14: {  	s14 =	simm.s32 $0x2;
	s21 =	sadd.s32 $0xA000, s10;
	[dreg:$0xa] =	wrdreg s19  }
0x15: {  	s16 =	simm.s32 $0x0;
	s22 =	sadd.s32 $0xC800, s10;
	[dreg:$0xb] =	wrdreg s21  }
0x16: {  	s23 =	sadd.s32 $0xF000, s10;
	s24 =	sadd.s32 $0x11800, s10;
	[dreg:$0xc] =	wrdreg s22  }
0x17: {  	s25 =	sadd.s32 $0x14000, s10;
	s2 =	sadd.s32 s2, s7;
	[dreg:$0xd] =	wrdreg s23  }
0x18: {  	s26 =	sadd.s32 $0x16800, s10;
	s28 =	sadd.s32 $0x1B800, s10;
	[dreg:$0xe] =	wrdreg s24  }
0x19: {  	s29 =	sadd.s32 $0x1E000, s10;
	s30 =	sadd.s32 $0x20800, s10;
	[dreg:$0xf] =	wrdreg s25  }
0x1a: {  	s31 =	sadd.s32 $0x23000, s10;
	s7 =	simm.s32 $0x4100;
	[dreg:$0x10] =	wrdreg s2  }
0x1b: {  	[dreg:$0x11] =	wrdreg s26;
	s23 =	sadd.s32 $0x35800, s0;
	s24 =	sadd.s32 $0x36200, s9  }
0x1c: {  	s25 =	smax.u32 s8, $0x1;
	s26 =	sadd.s32 $0x19000, s10;
	s2 =	sadd.s32 $0x25800, s10  }
0x1d: {  	v0 =	vimm.f32 $1.000000000e+00;
	s0 =	simm.s32 $0x3;
	s8 =	simm.s32 $0x80;
	s9 =	simm.s32 $0x100  }
.LBB2_1:
0x1e: {  	s17 =	rddreg [dreg:$0x7]  }
0x1f: {  	s18 =	rddreg [dreg:$0x5];
	s17 =	sshrl.u32 s17, $0x3  }
0x20: {  	[spmem:s17], [sflag:s11] =	dma.local [hbm:s18], $0x2800  }
0x21: {  	_ =	swait.ge [sflag:s0], $0x2800  }
0x22: {  	[sflag:s0] =	ssyncset.done $0x0  }
0x23: {  	s22 =	rddreg [dreg:$0x6];
	[sflag:s0] =	ssyncadd.s32 $0xFFFFD800  }
0x24: {  	[tilespmem:s7], [sflag:$0x3] =	stream.linear.gather [hbm4b:s22+s4], $0x2800, $0x38;
	[tilespmem:$0x1FB80] =	vst v63  }
0x25: {  	_ =	swait.ge [sflag:s0], $0x2800  }
0x26: {  	[sflag:s0] =	ssyncset.done $0x0  }
0x27: {  	[sflag:s0] =	ssyncadd.s32 $0xFFFFD800  }
0x28: {  	s18 =	simm.s32 $0x0;
	[bflag:$0x0] =	sbarrier.arrive $0xFFFF  }
.LBB2_2:
0x29: {  	s19 =	sand.u32 $0x3C00, s18  }
0x2a: {  	s20 =	sand.u32 $0x380, s18;
	s19 =	sadd.s32 s19, s12  }
0x2b: {  	s19 =	sor.u32 s20, s19  }
0x2c: {  	s19 =	sshrl.u32 s19, $0x3  }
0x2d: {  	s22 =	sadd.s32 s1, s19  }
0x2e: {  	[tilespmem:s4], [sflag:$0x3] =	stream.linear.gather [hbm4b:s22+s4], $0x80, $0x38;
	[tilespmem:$0x1FB80] =	vst v63  }
0x2f: {  	_ =	swait.ge [sflag:s0], $0x80  }
0x30: {  	[sflag:s0] =	ssyncset.done $0x0  }
0x31: {  	s19 =	sadd.s32 s6, s19;
	[sflag:s0] =	ssyncadd.s32 $0xFFFFFF80  }
0x32: {  	[tilespmem:s8], [sflag:$0x3] =	stream.linear.gather [hbm4b:s19+s4], $0x80, $0x38;
	[tilespmem:$0x1FB80] =	vst v63  }
0x33: {  	_ =	swait.ge [sflag:s0], $0x80  }
0x34: {  	[sflag:s0] =	ssyncset.done $0x0  }
0x35: {  	[sflag:s0] =	ssyncadd.s32 $0xFFFFFF80  }
0x36: {  	[tilespmem:s9], [sflag:$0x1] =	stream.indirect.gather [hbm4b:s5+s8], $0x80, s4, s8, $0xb8;
	[tilespmem:$0x1FB80] =	vst v63  }
0x37: {  	_ =	swait.ge [sflag:s13], $0x4000  }
0x38: {  	[sflag:s13] =	ssyncset.done $0x0  }
0x39: {  	[sflag:s13] =	ssyncadd.s32 $0xFFFFC000  }
0x3a: {  	[spmem:s3] =	stream.indirect.scatter.add.f32 [tilespmem:s9], [sflag:$0x2], $0x80, s8, s8, $0xb8;
	[tilespmem:$0x1FB80] =	vst v63  }
0x3b: {  	_ =	swait.ge [sflag:s14], $0x4000  }
0x3c: {  	[sflag:s14] =	ssyncset.done $0x0  }
0x3d: {  	[sflag:s14] =	ssyncadd.s32 $0xFFFFC000  }
0x3e: {  	v1 =	vld [tilespmem:$0x80];
	_ =	sdelay $0x7  }
0x3f: {  	[tilespmem:v1+s7+$0x0] =	vst.idx.add.f32.msk $0xffff, v0  }
0x40: {  	v1 =	vld [tilespmem:$0x90];
	_ =	sdelay $0x7  }
0x41: {  	[tilespmem:v1+s7+$0x0] =	vst.idx.add.f32.msk $0xffff, v0  }
0x42: {  	v1 =	vld [tilespmem:$0xA0];
	_ =	sdelay $0x7  }
0x43: {  	[tilespmem:v1+s7+$0x0] =	vst.idx.add.f32.msk $0xffff, v0  }
0x44: {  	v1 =	vld [tilespmem:$0xB0];
	_ =	sdelay $0x7  }
0x45: {  	[tilespmem:v1+s7+$0x0] =	vst.idx.add.f32.msk $0xffff, v0  }
0x46: {  	v1 =	vld [tilespmem:$0xC0];
	_ =	sdelay $0x7  }
0x47: {  	[tilespmem:v1+s7+$0x0] =	vst.idx.add.f32.msk $0xffff, v0  }
0x48: {  	v1 =	vld [tilespmem:$0xD0];
	_ =	sdelay $0x7  }
0x49: {  	[tilespmem:v1+s7+$0x0] =	vst.idx.add.f32.msk $0xffff, v0  }
0x4a: {  	v1 =	vld [tilespmem:$0xE0];
	_ =	sdelay $0x7  }
0x4b: {  	[tilespmem:v1+s7+$0x0] =	vst.idx.add.f32.msk $0xffff, v0  }
0x4c: {  	v1 =	vld [tilespmem:$0xF0];
	_ =	sdelay $0x2  }
0x4d: {  	p0 =	sne.s32 s18, $0x2700  }
.Ltmp0:
0x4e: {  	_ = 	snop;
	(pc) =	sbr.rel @p0 .LBB2_2-.Ltmp0, $2  }
0x4f: {  	_ =	sdelay $0x2  }
0x50: {  	s18 =	sadd.s32 $0x80, s18;
	[tilespmem:v1+s7+$0x0] =	vst.idx.add.f32.msk $0xffff, v0  }
0x51: {  	[spmem:s10] =	stream.strided.scatter [tilespmem:s7], [sflag:$0x3], $0x280, s15, s8, $0x38;
	[tilespmem:$0x1FB80] =	vst v63  }
0x52: {  	_ =	swait.ge [sflag:s0], $0x280  }
0x53: {  	[sflag:s0] =	ssyncset.done $0x0  }
0x54: {  	s19 =	simm.s32 $0x4380;
	s18 =	rddreg [dreg:$0x8];
	[sflag:s0] =	ssyncadd.s32 $0xFFFFFD80  }
0x55: {  	[spmem:s18] =	stream.strided.scatter [tilespmem:s19], [sflag:$0x3], $0x280, s15, s8, $0x38;
	[tilespmem:$0x1FB80] =	vst v63  }
0x56: {  	_ =	swait.ge [sflag:s0], $0x280  }
0x57: {  	[sflag:s0] =	ssyncset.done $0x0  }
0x58: {  	s20 =	simm.s32 $0x4600;
	s19 =	rddreg [dreg:$0x9];
	[sflag:s0] =	ssyncadd.s32 $0xFFFFFD80  }
0x59: {  	[spmem:s19] =	stream.strided.scatter [tilespmem:s20], [sflag:$0x3], $0x280, s15, s8, $0x38;
	[tilespmem:$0x1FB80] =	vst v63  }
0x5a: {  	_ =	swait.ge [sflag:s0], $0x280  }
0x5b: {  	[sflag:s0] =	ssyncset.done $0x0  }
0x5c: {  	s22 =	simm.s32 $0x4880;
	s21 =	rddreg [dreg:$0xa];
	[sflag:s0] =	ssyncadd.s32 $0xFFFFFD80  }
0x5d: {  	[spmem:s21] =	stream.strided.scatter [tilespmem:s22], [sflag:$0x3], $0x280, s15, s8, $0x38;
	[tilespmem:$0x1FB80] =	vst v63  }
0x5e: {  	_ =	swait.ge [sflag:s0], $0x280  }
0x5f: {  	[sflag:s0] =	ssyncset.done $0x0  }
0x60: {  	s20 =	simm.s32 $0x4B00;
	s19 =	rddreg [dreg:$0xb];
	[sflag:s0] =	ssyncadd.s32 $0xFFFFFD80  }
0x61: {  	[spmem:s19] =	stream.strided.scatter [tilespmem:s20], [sflag:$0x3], $0x280, s15, s8, $0x38;
	[tilespmem:$0x1FB80] =	vst v63  }
0x62: {  	_ =	swait.ge [sflag:s0], $0x280  }
0x63: {  	[sflag:s0] =	ssyncset.done $0x0  }
0x64: {  	s22 =	simm.s32 $0x4D80;
	s21 =	rddreg [dreg:$0xc];
	[sflag:s0] =	ssyncadd.s32 $0xFFFFFD80  }
0x65: {  	[spmem:s21] =	stream.strided.scatter [tilespmem:s22], [sflag:$0x3], $0x280, s15, s8, $0x38;
	[tilespmem:$0x1FB80] =	vst v63  }
0x66: {  	_ =	swait.ge [sflag:s0], $0x280  }
0x67: {  	[sflag:s0] =	ssyncset.done $0x0  }
0x68: {  	s20 =	simm.s32 $0x5000;
	s19 =	rddreg [dreg:$0xd];
	[sflag:s0] =	ssyncadd.s32 $0xFFFFFD80  }
0x69: {  	[spmem:s19] =	stream.strided.scatter [tilespmem:s20], [sflag:$0x3], $0x280, s15, s8, $0x38;
	[tilespmem:$0x1FB80] =	vst v63  }
0x6a: {  	_ =	swait.ge [sflag:s0], $0x280  }
0x6b: {  	[sflag:s0] =	ssyncset.done $0x0  }
0x6c: {  	s22 =	simm.s32 $0x5280;
	s21 =	rddreg [dreg:$0xe];
	[sflag:s0] =	ssyncadd.s32 $0xFFFFFD80  }
0x6d: {  	[spmem:s21] =	stream.strided.scatter [tilespmem:s22], [sflag:$0x3], $0x280, s15, s8, $0x38;
	[tilespmem:$0x1FB80] =	vst v63  }
0x6e: {  	_ =	swait.ge [sflag:s0], $0x280  }
0x6f: {  	[sflag:s0] =	ssyncset.done $0x0  }
0x70: {  	s20 =	simm.s32 $0x5500;
	s19 =	rddreg [dreg:$0xf];
	[sflag:s0] =	ssyncadd.s32 $0xFFFFFD80  }
0x71: {  	[spmem:s19] =	stream.strided.scatter [tilespmem:s20], [sflag:$0x3], $0x280, s15, s8, $0x38;
	[tilespmem:$0x1FB80] =	vst v63  }
0x72: {  	_ =	swait.ge [sflag:s0], $0x280  }
0x73: {  	[sflag:s0] =	ssyncset.done $0x0  }
0x74: {  	s22 =	simm.s32 $0x5780;
	s21 =	rddreg [dreg:$0x11];
	[sflag:s0] =	ssyncadd.s32 $0xFFFFFD80  }
0x75: {  	[spmem:s21] =	stream.strided.scatter [tilespmem:s22], [sflag:$0x3], $0x280, s15, s8, $0x38;
	[tilespmem:$0x1FB80] =	vst v63  }
0x76: {  	_ =	swait.ge [sflag:s0], $0x280  }
0x77: {  	[sflag:s0] =	ssyncset.done $0x0  }
0x78: {  	s19 =	simm.s32 $0x5A00;
	[sflag:s0] =	ssyncadd.s32 $0xFFFFFD80  }
0x79: {  	[spmem:s26] =	stream.strided.scatter [tilespmem:s19], [sflag:$0x3], $0x280, s15, s8, $0x38;
	[tilespmem:$0x1FB80] =	vst v63  }
0x7a: {  	_ =	swait.ge [sflag:s0], $0x280  }
0x7b: {  	[sflag:s0] =	ssyncset.done $0x0  }
0x7c: {  	s20 =	simm.s32 $0x5C80;
	[sflag:s0] =	ssyncadd.s32 $0xFFFFFD80  }
0x7d: {  	[spmem:s28] =	stream.strided.scatter [tilespmem:s20], [sflag:$0x3], $0x280, s15, s8, $0x38;
	[tilespmem:$0x1FB80] =	vst v63  }
0x7e: {  	_ =	swait.ge [sflag:s0], $0x280  }
0x7f: {  	[sflag:s0] =	ssyncset.done $0x0  }
0x80: {  	s21 =	simm.s32 $0x5F00;
	[sflag:s0] =	ssyncadd.s32 $0xFFFFFD80  }
0x81: {  	[spmem:s29] =	stream.strided.scatter [tilespmem:s21], [sflag:$0x3], $0x280, s15, s8, $0x38;
	[tilespmem:$0x1FB80] =	vst v63  }
0x82: {  	_ =	swait.ge [sflag:s0], $0x280  }
0x83: {  	[sflag:s0] =	ssyncset.done $0x0  }
0x84: {  	s22 =	simm.s32 $0x6180;
	[sflag:s0] =	ssyncadd.s32 $0xFFFFFD80  }
0x85: {  	[spmem:s30] =	stream.strided.scatter [tilespmem:s22], [sflag:$0x3], $0x280, s15, s8, $0x38;
	[tilespmem:$0x1FB80] =	vst v63  }
0x86: {  	_ =	swait.ge [sflag:s0], $0x280  }
0x87: {  	[sflag:s0] =	ssyncset.done $0x0  }
0x88: {  	s19 =	simm.s32 $0x6400;
	[sflag:s0] =	ssyncadd.s32 $0xFFFFFD80  }
0x89: {  	[spmem:s31] =	stream.strided.scatter [tilespmem:s19], [sflag:$0x3], $0x280, s15, s8, $0x38;
	[tilespmem:$0x1FB80] =	vst v63  }
0x8a: {  	_ =	swait.ge [sflag:s0], $0x280  }
0x8b: {  	[sflag:s0] =	ssyncset.done $0x0  }
0x8c: {  	s20 =	simm.s32 $0x6680;
	[sflag:s0] =	ssyncadd.s32 $0xFFFFFD80  }
0x8d: {  	[spmem:s2] =	stream.strided.scatter [tilespmem:s20], [sflag:$0x3], $0x280, s15, s8, $0x38;
	[tilespmem:$0x1FB80] =	vst v63  }
0x8e: {  	_ =	swait.ge [sflag:s0], $0x280  }
0x8f: {  	[sflag:s0] =	ssyncset.done $0x0  }
0x90: {  	[sflag:s0] =	ssyncadd.s32 $0xFFFFFD80  }
0x91: {  	[bflag:$0x0] =	sbarrier.arrive $0xFFFF  }
0x92: {  	s22 =	simm.s32 $0x6900;
	s21 =	rddreg [dreg:$0x10]  }
0x93: {  	[tilespmem:s22], [sflag:$0x3] =	stream.linear.gather [spmem:s21], $0x2800, $0x38;
	[tilespmem:$0x1FB80] =	vst v63  }
0x94: {  	s20 =	simm.s32 $0x0;
	_ =	swait.ge [sflag:s0], $0x2800  }
0x95: {  	s18 =	sand.u32 $0x1C00, s20;
	s21 =	sand.u32 $0x70, s20;
	[sflag:s0] =	ssyncset.done $0x0  }
0x96: {  	s18 =	sor.u32 s21, s18;
	[sflag:s0] =	ssyncadd.s32 $0xFFFFD800  }
0x97: {  	v1 =	vld [tilespmem:s18+$0x6980]  }
0x98: {  	v2 =	vld [tilespmem:s18+$0x6900];
	_ =	sdelay $0x1  }
0x99: {  	v3 =	vld [tilespmem:s18+$0x6A00];
	_ =	sdelay $0x1  }
0x9a: {  	v4 =	vld [tilespmem:s18+$0x6A80]  }
0x9b: {  	v1 =	vadd.f32 v1, v2  }
0x9c: {  	v2 =	vld [tilespmem:s18+$0x6B00]  }
0x9d: {  	v1 =	vadd.f32 v3, v1  }
0x9e: {  	v3 =	vld [tilespmem:s18+$0x6B80]  }
0x9f: {  	v1 =	vadd.f32 v4, v1  }
0xa0: {  	v60 =	vld [tilespmem:s18+$0x6C00]  }
0xa1: {  	v1 =	vadd.f32 v2, v1  }
0xa2: {  	v2 =	vld [tilespmem:s18+$0x6C80]  }
0xa3: {  	v1 =	vadd.f32 v3, v1  }
0xa4: {  	v3 =	vld [tilespmem:s18+$0x7D00]  }
0xa5: {  	v1 =	vadd.f32 v60, v1  }
0xa6: {  	v61 =	vld [tilespmem:s18+$0x7D80]  }
0xa7: {  	v1 =	vadd.f32 v2, v1  }
0xa8: {  	v2 =	vld [tilespmem:s18+$0x7E00]  }
0xa9: {  	v1 =	vadd.f32 v3, v1  }
0xaa: {  	v3 =	vld [tilespmem:s18+$0x7E80]  }
0xab: {  	v1 =	vadd.f32 v61, v1  }
0xac: {  	v62 =	vld [tilespmem:s18+$0x7F00]  }
0xad: {  	v1 =	vadd.f32 v2, v1  }
0xae: {  	v2 =	vld [tilespmem:s18+$0x7F80]  }
0xaf: {  	v1 =	vadd.f32 v3, v1  }
0xb0: {  	v3 =	vld [tilespmem:s18+$0x8000]  }
0xb1: {  	v1 =	vadd.f32 v62, v1  }
0xb2: {  	v63 =	vld [tilespmem:s18+$0x8080]  }
0xb3: {  	v1 =	vadd.f32 v2, v1;
	_ =	sdelay $0x1  }
0xb4: {  	v1 =	vadd.f32 v3, v1;
	_ =	sdelay $0x1  }
0xb5: {  	s22 =	simm.s32 $0x10;
	s20 =	simm.s32 $0x80;
	v1 =	vadd.f32 v63, v1  }
0xb6: {  	s19 =	sand.u32 $0x70, s22;
	s21 =	sand.u32 $0x1C00, s20;
	s18 =	simm.s32 $0x9100  }
0xb7: {  	s19 =	sor.u32 s19, s21;
	s21 =	simm.s32 $0x20;
	[tilespmem:s18+$0x0] =	vst v1  }
.LBB2_4:
0xb8: {  	p0 =	sne.s32 s21, $0x270;
	v1 =	vld [tilespmem:s19+$0x6980]  }
0xb9: {  	v2 =	vld [tilespmem:s19+$0x6900];
	_ =	sdelay $0x1  }
0xba: {  	v3 =	vld [tilespmem:s19+$0x6A00];
	_ =	sdelay $0x1  }
0xbb: {  	v4 =	vld [tilespmem:s19+$0x6A80]  }
0xbc: {  	v1 =	vadd.f32 v1, v2  }
0xbd: {  	v2 =	vld [tilespmem:s19+$0x6B00]  }
0xbe: {  	v1 =	vadd.f32 v3, v1  }
0xbf: {  	v3 =	vld [tilespmem:s19+$0x6B80]  }
0xc0: {  	v1 =	vadd.f32 v4, v1  }
0xc1: {  	v4 =	vld [tilespmem:s19+$0x6C00]  }
0xc2: {  	v1 =	vadd.f32 v2, v1  }
0xc3: {  	v2 =	vld [tilespmem:s19+$0x6C80]  }
0xc4: {  	v1 =	vadd.f32 v3, v1  }
0xc5: {  	v3 =	vld [tilespmem:s19+$0x7D00]  }
0xc6: {  	v1 =	vadd.f32 v4, v1  }
0xc7: {  	v4 =	vld [tilespmem:s19+$0x7D80]  }
0xc8: {  	v1 =	vadd.f32 v2, v1  }
0xc9: {  	v2 =	vld [tilespmem:s19+$0x7E00]  }
0xca: {  	v1 =	vadd.f32 v3, v1  }
0xcb: {  	v3 =	vld [tilespmem:s19+$0x7E80]  }
0xcc: {  	v1 =	vadd.f32 v4, v1  }
0xcd: {  	v4 =	vld [tilespmem:s19+$0x7F00]  }
0xce: {  	v1 =	vadd.f32 v2, v1  }
0xcf: {  	v2 =	vld [tilespmem:s19+$0x7F80]  }
0xd0: {  	v1 =	vadd.f32 v3, v1  }
0xd1: {  	v3 =	vld [tilespmem:s19+$0x8000]  }
0xd2: {  	v1 =	vadd.f32 v4, v1  }
0xd3: {  	v4 =	vld [tilespmem:s19+$0x8080]  }
0xd4: {  	v1 =	vadd.f32 v2, v1;
	_ =	sdelay $0x1  }
.Ltmp1:
0xd5: {  	v1 =	vadd.f32 v3, v1;
	(pc) =	sbr.rel @p0 .LBB2_4-.Ltmp1, $4  }
0xd6: {  	_ = 	snop  }
0xd7: {  	s20 =	sadd.s32 $0x80, s20;
	v1 =	vadd.f32 v4, v1  }
0xd8: {  	s18 =	sadd.s32 $0x10, s18;
	s22 =	sand.u32 $0x1C00, s20;
	s19 =	sand.u32 $0x70, s21  }
0xd9: {  	s21 =	sadd.s32 $0x10, s21;
	s19 =	sor.u32 s19, s22;
	[tilespmem:s18+$0x0] =	vst v1  }
0xda: {  	v1 =	vld [tilespmem:s19+$0x6980]  }
0xdb: {  	v2 =	vld [tilespmem:s19+$0x6900];
	_ =	sdelay $0x1  }
0xdc: {  	v3 =	vld [tilespmem:s19+$0x6A00];
	_ =	sdelay $0x1  }
0xdd: {  	v4 =	vld [tilespmem:s19+$0x6A80]  }
0xde: {  	v1 =	vadd.f32 v1, v2  }
0xdf: {  	v2 =	vld [tilespmem:s19+$0x6B00]  }
0xe0: {  	v1 =	vadd.f32 v3, v1  }
0xe1: {  	v3 =	vld [tilespmem:s19+$0x6B80]  }
0xe2: {  	v1 =	vadd.f32 v4, v1  }
0xe3: {  	v60 =	vld [tilespmem:s19+$0x6C00]  }
0xe4: {  	v1 =	vadd.f32 v2, v1  }
0xe5: {  	v2 =	vld [tilespmem:s19+$0x6C80]  }
0xe6: {  	v1 =	vadd.f32 v3, v1  }
0xe7: {  	v3 =	vld [tilespmem:s19+$0x7D00]  }
0xe8: {  	v1 =	vadd.f32 v60, v1  }
0xe9: {  	v61 =	vld [tilespmem:s19+$0x7D80]  }
0xea: {  	v1 =	vadd.f32 v2, v1  }
0xeb: {  	v2 =	vld [tilespmem:s19+$0x7E00]  }
0xec: {  	v1 =	vadd.f32 v3, v1  }
0xed: {  	v3 =	vld [tilespmem:s19+$0x7E80]  }
0xee: {  	v1 =	vadd.f32 v61, v1  }
0xef: {  	v62 =	vld [tilespmem:s19+$0x7F00]  }
0xf0: {  	v1 =	vadd.f32 v2, v1  }
0xf1: {  	v2 =	vld [tilespmem:s19+$0x7F80]  }
0xf2: {  	v1 =	vadd.f32 v3, v1  }
0xf3: {  	v3 =	vld [tilespmem:s19+$0x8000]  }
0xf4: {  	v1 =	vadd.f32 v62, v1  }
0xf5: {  	v63 =	vld [tilespmem:s19+$0x8080]  }
0xf6: {  	v1 =	vadd.f32 v2, v1;
	_ =	sdelay $0x1  }
0xf7: {  	v1 =	vadd.f32 v3, v1;
	_ =	sdelay $0x1  }
0xf8: {  	v1 =	vadd.f32 v63, v1  }
0xf9: {  	s18 =	sadd.s32 $0x10, s18  }
0xfa: {  	s22 =	simm.s32 $0x9100;
	[tilespmem:s18+$0x0] =	vst v1  }
0xfb: {  	[hbm4b:s23+s4] =	stream.linear.scatter [tilespmem:s22], [sflag:$0x3], $0x280, $0x38;
	[tilespmem:$0x1FB80] =	vst v63  }
0xfc: {  	s16 =	sadd.s32 $0x1, s16;
	_ =	swait.ge [sflag:s0], $0x280  }
0xfd: {  	p0 =	sne.s32 s16, s25;
	[sflag:s0] =	ssyncset.done $0x0  }
.Ltmp2:
0xfe: {  	[sflag:s0] =	ssyncadd.s32 $0xFFFFFD80;
	(pc) =	sbr.rel @p0 .LBB2_1-.Ltmp2, $4  }
0xff: {  	[hbm:s24], [sflag:s11] =	dma.local [spmem:s17], $0x2800  }
0x100: {  	_ =	swait.ge [sflag:s0], $0x2800  }
0x101: {  	[sflag:s0] =	ssyncset.done $0x0  }
0x102: {  	[sflag:s0] =	ssyncadd.s32 $0xFFFFD800  }
0x103: {  	_ =	sfence.sel $0x180000  }
0x104: {  	[bflag:$0x0] =	sbarrier.arrive $0xFFFF  }
0x105: {  	_ =	strace $0x90000047  }
0x106: {  	s0 =	stileid.u32;
	[bflag:$0x2] =	sbarrier.arrive $0xFFFF  }
0x107: {  	p0 =	sne.s32 s0, $0x0;
	s0 =	rddreg [dreg:$0x4]  }
0x108: {  	s0 =	sadd.s32 @!p0 $0x100000, s0  }
0x109: {  	[sflag:s0] =	ssyncadd.tile.s32 @!p0 $0x1;
	_ =	shalt  }
.Lfunc_end2:
_tile_overlayer_lowered:
.L_overlay_start_2:
0x10a: {  	(tag) =	ssettag $0x2  }
0x10b: {  	s0 =	rddreg [dreg:$0x0];
	s2 =	stileid.u32  }
0x10c: {  	s1 =	rddreg [dreg:$0x1];
	p0 =	sne.s32 s2, $0x0  }
0x10d: {  	s3 =	rddreg [dreg:$0x2];
	[bflag:$0x3] =	sbarrier.arrive $0xFFFF;
	s2 =	simm.s32 @!p0 $0x1C03  }
0x10e: {  	[timem:s3], [sflag:s2] =	dma.local @!p0 [hbm:s0], s1  }
0x10f: {  	s0 =	simm.s32 @!p0 $0x3  }
0x110: {  	_ =	swait.ge @!p0 [sflag:s0], s1  }
0x111: {  	s1 =	ssub.s32 @!p0 $0x0, s1;
	[sflag:s0] =	ssyncset.done @!p0 $0x0  }
0x112: {  	[sflag:s0] =	ssyncadd.s32 @!p0 s1  }
0x113: {  	[bflag:$0x3] =	sbarrier.arrive $0xFFFF  }
0x114: {  	_ =	shalt  }

// kernel: kernel.9.cloned.1.call-start
scs
__scs_entry_jumppad:
0x0: {  	(pc) =	sbr.rel $0x88, $3  }
0x1: {  	(tag) =	ssettag $0x0;
	lr =	simm.s32 $0x1  }
0x2: {  	[smem:$0x3F99] =	sst lr;
	_ =	strace $0xD0000000  }
0x3: {  	_ = 	snop  }
0x4: {  	_ = 	snop  }
0x5: {  	_ = 	snop  }
0x6: {  	_ = 	snop  }
0x7: {  	_ = 	snop  }
__scs_overlays_trampoline_lowered:
0x8: {  	[smem:$0x3FA8] =	sst s0  }
0x9: {  	[smem:$0x3FA9] =	sst s1  }
0xa: {  	[smem:$0x3FAA] =	sst s2  }
0xb: {  	[smem:$0x3FAB] =	sst s3  }
0xc: {  	[smem:$0x3FAC] =	sst s4  }
0xd: {  	[smem:$0x3FAD] =	sst s5  }
0xe: {  	[smem:$0x3FAE] =	sst s6  }
0xf: {  	[smem:$0x3FAF] =	sst s7  }
0x10: {  	[smem:$0x3FB0] =	sst s8  }
0x11: {  	[smem:$0x3FB1] =	sst s9;
	s0 =	simm.s32 @!p0 $0x0  }
0x12: {  	s1 =	sld [smem:$0x3F97];
	s0 =	simm.s32 @p0 $0x1  }
0x13: {  	[smem:$0x3FB2] =	sst s0;
	s0 =	simm.s32 @!p1 $0x0  }
0x14: {  	s2 =	sld [smem:$0x3F96];
	s0 =	simm.s32 @p1 $0x1  }
0x15: {  	[smem:$0x3FB3] =	sst s0;
	s0 =	simm.s32 @!p2 $0x0  }
0x16: {  	s3 =	sld [smem:$0x3FDB];
	s0 =	simm.s32 @p2 $0x1  }
0x17: {  	s4 =	simm.s32 $0x1BF5;
	[smem:$0x3FB5] =	sst s0  }
0x18: {  	s0 =	sld [smem:$0x3F98];
	_ =	swait.ge [sflag:s4], $0x0  }
0x19: {  	s7 =	sld [smem:$0x3F99]  }
0x1a: {  	s8 =	sadd.s32 $0xFFFFE003, lr  }
0x1b: {  	s9 =	sadd.s32 $0xFFFFFEF7, lr;
	s5 =	simm.s32 $0xFFFFFFFF;
	p2 =	slt.u32 s8, $0xFFFFF086  }
0x1c: {  	p1 =	slt.u32 s9, $0xF7A;
	s5 =	simm.s32 @!p2 $0x0  }
0x1d: {  	s5 =	simm.s32 @p1 $0x1;
	p0 =	seq.s32 s7, s2  }
0x1e: {  	s7 =	smul.u32 @!p0 $0xF7A, s2;
	p2 =	seq.s32 @!p0 s5, $0x0  }
0x1f: {  	s9 =	smul.u32 $0xF7A, s1;
	s8 =	simm.s32 @!p0 $0x1BF5;
	p2 =	por !p2, p0  }
0x20: {  	[sflag:s8] =	ssyncset.s32 @!p0 $0xFFFFF086;
	s6 =	sadd.s32 @!p0 s3, s7;
	s7 =	simm.s32 @!p0 $0x108  }
0x21: {  	s3 =	sadd.s32 s3, s9;
	s6 =	sadd.s32 @!p0 $0x88, s6;
	s7 =	simm.s32 @p2 $0x1082  }
0x22: {  	[simem:s7], [sflag:s8] =	dma.local @!p0 [hbm:s6], $0xF7A  }
0x23: {  	s9 =	sor.u32 $0xD0000000, s2;
	s6 =	simm.s32 $0x108;
	_ =	swait.ge @!p0 [sflag:s8], $0x0  }
0x24: {  	s3 =	sadd.s32 $0x88, s3;
	s6 =	simm.s32 @!p1 $0x1082;
	[sflag:s4] =	ssyncset.s32 $0xFFFFF086  }
0x25: {  	[simem:s6], [sflag:s4] =	dma.local [hbm:s3], $0xF7A  }
0x26: {  	[smem:$0x3F99] =	sst s1;
	(tag) =	ssettag s2;
	_ =	strace s9  }
0x27: {  	s1 =	sld [smem:$0x3FA9]  }
0x28: {  	s2 =	sld [smem:$0x3FAA]  }
0x29: {  	s4 =	sld [smem:$0x3FAC]  }
0x2a: {  	p0 =	seq.s32 s5, $0x0;
	s5 =	sld [smem:$0x3FAD]  }
0x2b: {  	s6 =	sld [smem:$0x3FAE]  }
0x2c: {  	s7 =	sld [smem:$0x3FAF]  }
0x2d: {  	s3 =	simm.s32 $0x108;
	s8 =	sld [smem:$0x3FB0]  }
0x2e: {  	s3 =	simm.s32 @!p0 $0x1082;
	s9 =	sld [smem:$0x3FB1]  }
0x2f: {  	lr =	sadd.s32 s0, s3;
	s0 =	sld [smem:$0x3FA8]  }
0x30: {  	s3 =	sld [smem:$0x3FAB]  }
0x31: {  	[smem:$0x3FB4] =	sst s10  }
0x32: {  	s10 =	sld [smem:$0x3FB2];
	_ =	sdelay $0x3  }
0x33: {  	p0 =	seq.s32 s10, $0x1;
	s10 =	sld [smem:$0x3FB4];
	_ =	sdelay $0x3  }
0x34: {  	[smem:$0x3FB4] =	sst s10  }
0x35: {  	s10 =	sld [smem:$0x3FB3];
	_ =	sdelay $0x3  }
0x36: {  	p1 =	seq.s32 s10, $0x1;
	s10 =	sld [smem:$0x3FB4];
	_ =	sdelay $0x3  }
0x37: {  	[smem:$0x3FB4] =	sst s10  }
0x38: {  	s10 =	sld [smem:$0x3FB5]  }
0x39: {  	_ = 	snop;
	(pc) =	sbr.ind lr, $3  }
0x3a: {  	_ = 	snop  }
0x3b: {  	_ = 	snop  }
0x3c: {  	p2 =	seq.s32 s10, $0x1;
	s10 =	sld [smem:$0x3FB4]  }
0x3d: {  	_ =	shalt  }
0x3e: {  	_ =	shalt  }
0x3f: {  	_ =	shalt  }
0x40: {  	_ =	shalt  }
0x41: {  	_ =	shalt  }
0x42: {  	_ =	shalt  }
0x43: {  	_ =	shalt  }
0x44: {  	_ =	shalt  }
0x45: {  	_ =	shalt  }
0x46: {  	_ =	shalt  }
0x47: {  	_ =	shalt  }
0x48: {  	_ =	shalt  }
0x49: {  	_ =	shalt  }
0x4a: {  	_ =	shalt  }
0x4b: {  	_ =	shalt  }
0x4c: {  	_ =	shalt  }
0x4d: {  	_ =	shalt  }
0x4e: {  	_ =	shalt  }
0x4f: {  	_ =	shalt  }
0x50: {  	_ =	shalt  }
0x51: {  	_ =	shalt  }
0x52: {  	_ =	shalt  }
0x53: {  	_ =	shalt  }
0x54: {  	_ =	shalt  }
0x55: {  	_ =	shalt  }
0x56: {  	_ =	shalt  }
0x57: {  	_ =	shalt  }
0x58: {  	_ =	shalt  }
0x59: {  	_ =	shalt  }
0x5a: {  	_ =	shalt  }
0x5b: {  	_ =	shalt  }
0x5c: {  	_ =	shalt  }
0x5d: {  	_ =	shalt  }
0x5e: {  	_ =	shalt  }
0x5f: {  	_ =	shalt  }
0x60: {  	_ =	shalt  }
0x61: {  	_ =	shalt  }
0x62: {  	_ =	shalt  }
0x63: {  	_ =	shalt  }
0x64: {  	_ =	shalt  }
0x65: {  	_ =	shalt  }
0x66: {  	_ =	shalt  }
0x67: {  	_ =	shalt  }
0x68: {  	_ =	shalt  }
0x69: {  	_ =	shalt  }
0x6a: {  	_ =	shalt  }
0x6b: {  	_ =	shalt  }
0x6c: {  	_ =	shalt  }
0x6d: {  	_ =	shalt  }
0x6e: {  	_ =	shalt  }
0x6f: {  	_ =	shalt  }
0x70: {  	_ =	shalt  }
0x71: {  	_ =	shalt  }
0x72: {  	_ =	shalt  }
0x73: {  	_ =	shalt  }
0x74: {  	_ =	shalt  }
0x75: {  	_ =	shalt  }
0x76: {  	_ =	shalt  }
0x77: {  	_ =	shalt  }
0x78: {  	_ =	shalt  }
0x79: {  	_ =	shalt  }
0x7a: {  	_ =	shalt  }
0x7b: {  	_ =	shalt  }
0x7c: {  	_ =	shalt  }
0x7d: {  	_ =	shalt  }
0x7e: {  	_ =	shalt  }
0x7f: {  	_ =	shalt  }
0x80: {  	_ =	shalt  }
0x81: {  	_ =	shalt  }
0x82: {  	_ =	shalt  }
0x83: {  	_ =	shalt  }
0x84: {  	_ =	shalt  }
0x85: {  	_ =	shalt  }
0x86: {  	_ =	shalt  }
0x87: {  	_ =	shalt  }
.Lfunc_end0:
.L_simem_size_0:
called_computation.1_lowered:
.L_overlay_start_0:
0x88: {  	s2 =	sld [smem:$0x3FD9]  }
0x89: {  	s3 =	sld [smem:$0x3FFE];
	_ =	sdelay $0x1  }
0x8a: {  	s1 =	srdreg.scid  }
0x8b: {  	s0 =	sand.u32 $0x1, s1  }
0x8c: {  	s17 =	sshll.u32 s0, $0xA;
	s2 =	sadd.s32 s3, s2  }
0x8d: {  	s2 =	sadd.s32 s2, s17  }
0x8e: {  	[smem:$0x3FC0] =	sst s2  }
0x8f: {  	_ = 	snop  }
0x90: {  	s2 =	sld [smem:$0x3FD0];
	(tm) =	ssettm $0x1  }
0x91: {  	s18 =	sld [smem:$0x3FFB];
	_ =	sdelay $0x3  }
0x92: {  	_ =	strace s18  }
0x93: {  	s3 =	sld [smem:$0x3FFC];
	_ =	sdelay $0x3  }
0x94: {  	_ =	strace s3  }
0x95: {  	s3 =	sld [smem:$0x3FFD];
	_ =	sdelay $0x3  }
0x96: {  	_ =	strace s3  }
0x97: {  	_ =	strace $0x8FFFFFFF  }
0x98: {  	s19 =	sld [smem:$0x3FDB];
	_ =	sdelay $0x1  }
0x99: {  	s4 =	simm.s32 $_scs_section_size  }
0x9a: {  	s5 =	simm.s32 $_size__tile_overlayer_lowered;
	s6 =	simm.s32 $_tile_overlayer_lowered  }
0x9b: {  	s22 =	simm.s32 $0x1BFF;
	s21 =	sshll.u32 s6, $0x1;
	s3 =	sadd.s32 s4, s19  }
0x9c: {  	s7 =	simm.s32 $0x0;
	s20 =	sshll.u32 s5, $0x1;
	s5 =	sadd.s32 s21, s3  }
0x9d: {  	[timem:s7], [sflag:s22] =	dma.local [hbm:s5], s20  }
0x9e: {  	_ =	swait.ge [sflag:s22], s20  }
0x9f: {  	s4 =	ssub.s32 $0x0, s20;
	[sflag:s22] =	ssyncset.done $0x0  }
0xa0: {  	[sflag:s22] =	ssyncadd.s32 s4;
	_ =	sdelay $0x1  }
0xa1: {  	s23 =	simm.s32 $0x1B8B  }
0xa2: {  	_ =	swait.ge [sflag:s23], $0x1  }
0xa3: {  	[sflag:s23] =	ssyncset.done $0x0  }
0xa4: {  	s25 =	simm.s32 $0x1B8E;
	s24 =	sld [smem:$0x3FFE];
	[sflag:s23] =	ssyncadd.s32 $0xFFFFFFFF  }
0xa5: {  	s26 =	simm.s32 $execute0_lowered;
	[smem:$0x3FD2] =	sst s25  }
0xa6: {  	s5 =	sshll.u32 s26, $0x1;
	_ =	strace $0x80000049;
	[dreg:$0x1] =	wrdreg $0xFFFFFFFF  }
0xa7: {  	s28 =	simm.s32 $_size_execute0_lowered;
	s3 =	sadd.s32 s3, s5;
	[dreg:$0x0] =	wrdreg $0x0  }
0xa8: {  	s5 =	sshll.u32 s28, $0x1;
	[dreg:$0x2] =	wrdreg s3  }
0xa9: {  	[dreg:$0x3] =	wrdreg s5  }
0xaa: {  	[dreg:$0x4] =	wrdreg $0xC0  }
0xab: {  	_ =	task [dreg:s7], $0x5FFFF  }
0xac: {  	[dreg:$0x1] =	wrdreg $0xFFFFFFFF  }
0xad: {  	[dreg:$0x0] =	wrdreg $0x60  }
0xae: {  	[dreg:$0x2] =	wrdreg s24  }
0xaf: {  	[dreg:$0x3] =	wrdreg s2  }
0xb0: {  	[dreg:$0x4] =	wrdreg $0x41000  }
0xb1: {  	[dreg:$0x5] =	wrdreg $0x9  }
0xb2: {  	_ =	task.clear_ibuf [dreg:s7], $0x6FFFF;
	_ =	strace $0x90000049  }
0xb3: {  	s29 =	simm.s32 $0x9;
	_ =	strace $0x8000004B  }
0xb4: {  	_ =	swait.ge [sflag:s29], $0x1  }
0xb5: {  	[sflag:s29] =	ssyncadd.s32 $0xFFFFFFFF  }
0xb6: {  	_ =	strace $0x9000004B  }
0xb7: {  	_ =	sfence  }
0xb8: {  	s30 =	sld [smem:$0x0];
	_ =	sdelay $0x2  }
0xb9: {  	s31 =	sshll.u32 s1, $0xD;
	s1 =	sshrl.u32 s1, $0x2  }
0xba: {  	s3 =	sand.u32 $0x4000, s31;
	s1 =	sadd.s32 s1, s30  }
0xbb: {  	s0 =	sor.u32 s3, s0;
	s1 =	sshll.u32 s1, $0x11  }
0xbc: {  	s0 =	sor.u32 s1, s0  }
0xbd: {  	s0 =	sadd.s32 $0x8F2B, s0  }
0xbe: {  	[sflag:s0] =	ssyncadd.remote.s32 $0x1  }
0xbf: {  	_ =	sfence.sel $0xFFFF  }
0xc0: {  	[dreg:$0x0] =	wrdreg $0xFFFFFFFF;
	(pc) =	sbr.abs _section_cstart, $3  }
0xc1: {  	[dreg:$0x1] =	wrdreg $0xFFFFFFFF  }
0xc2: {  	_ =	task.clear_ibuf [dreg:s7], $0x2FFFF;
	_ =	strace $0x9FFFFFFF  }
0xc3: {  	(tm) =	ssettm $0x7FFFFFFF  }
tec
execute0_lowered:
.L_overlay_start_1:
0x0: {  	(tag) =	ssettag $0x1  }
0x1: {  	s9 =	rddreg [dreg:$0x0]  }
0x2: {  	s2 =	rddreg [dreg:$0x1]  }
0x3: {  	s3 =	rddreg [dreg:$0x2]  }
0x4: {  	s0 =	rddreg [dreg:$0x3]  }
0x5: {  	s5 =	srdreg.scid;
	s1 =	stileid.u32;
	s4 =	simm.s32 $0x0  }
0x6: {  	s16 =	simm.s32 $0x1;
	s17 =	simm.s32 $0x2;
	s18 =	simm.s32 $0x0  }
0x7: {  	s10 =	sand.u32 $0x1, s5;
	s7 =	smul.u32 $0x2800, s1;
	[smem:$0x7FF] =	sst s4  }
0x8: {  	s5 =	sadd.s32 $0xB800, s9;
	s6 =	sadd.s32 $0x1800, s9;
	s11 =	smul.u32 $0x50000, s1  }
0x9: {  	s13 =	sshll.u32 s1, $0x6;
	s8 =	smul.u32 $0x28000, s10;
	s31 =	ssub.s32 $0x2, s10  }
0xa: {  	_ =	strace $0x8000004A;
	s10 =	sshrl.u32 s31, $0x1;
	s11 =	sshrl.u32 s11, $0x2  }
0xb: {  	s7 =	sadd.s32 s7, s8;
	s8 =	sadd.s32 $0x32A00, s9;
	s14 =	ssub.s32 s31, s10  }
0xc: {  	s15 =	sadd.s32 s11, s3;
	s12 =	sadd.s32 s7, s9;
	s9 =	sor.u32 $0x1C03, s13  }
0xd: {  	s11 =	smax.u32 s14, $0x1;
	s13 =	simm.s32 $0x3;
	s14 =	simm.s32 $0x80  }
0xe: {  	s10 =	sadd.s32 $0x35200, s12;
	s12 =	sshrl.u32 s15, $0x3;
	s15 =	simm.s32 $0x100  }
.LBB2_1:
0xf: {  	[spmem:s12], [sflag:s9] =	dma.local [hbm:s8], $0x2800  }
0x10: {  	s19 =	sand.u32 $0x3C00, s4  }
0x11: {  	s20 =	sand.u32 $0x380, s4;
	_ =	swait.ge [sflag:s13], $0x2800;
	s19 =	sadd.s32 s19, s7  }
0x12: {  	[sflag:s13] =	ssyncset.done $0x0;
	s19 =	sor.u32 s20, s19  }
0x13: {  	[sflag:s13] =	ssyncadd.s32 $0xFFFFD800;
	s19 =	sshrl.u32 s19, $0x3  }
0x14: {  	[bflag:$0x0] =	sbarrier.arrive $0xFFFF;
	s29 =	sadd.s32 s2, s19  }
0x15: {  	[tilespmem:s4], [sflag:$0x3] =	stream.linear.gather [hbm4b:s29+s4], $0x80, $0x38;
	[tilespmem:$0x18100] =	vst v63  }
0x16: {  	_ =	swait.ge [sflag:s13], $0x80  }
0x17: {  	[sflag:s13] =	ssyncset.done $0x0  }
0x18: {  	s19 =	sadd.s32 s6, s19;
	[sflag:s13] =	ssyncadd.s32 $0xFFFFFF80  }
0x19: {  	[tilespmem:s14], [sflag:$0x3] =	stream.linear.gather [hbm4b:s19+s4], $0x80, $0x38;
	[tilespmem:$0x18100] =	vst v63  }
0x1a: {  	_ =	swait.ge [sflag:s13], $0x80  }
0x1b: {  	[sflag:s13] =	ssyncset.done $0x0  }
0x1c: {  	[sflag:s13] =	ssyncadd.s32 $0xFFFFFF80  }
0x1d: {  	[tilespmem:s15], [sflag:$0x1] =	stream.indirect.gather [hbm4b:s5+s14], $0x80, s4, s14, $0xb8;
	[tilespmem:$0x18100] =	vst v63  }
0x1e: {  	_ =	swait.ge [sflag:s16], $0x4000  }
0x1f: {  	s30 =	simm.s32 $0x80;
	[sflag:s16] =	ssyncset.done $0x0  }
0x20: {  	s31 =	sand.u32 $0x3C00, s30;
	[sflag:s16] =	ssyncadd.s32 $0xFFFFC000  }
0x21: {  	[spmem:s3] =	stream.indirect.scatter.add.f32 [tilespmem:s15], [sflag:$0x2], $0x80, s14, s14, $0xb8;
	[tilespmem:$0x18100] =	vst v63  }
0x22: {  	s21 =	sand.u32 $0x380, s30;
	s20 =	sadd.s32 s31, s7;
	_ =	swait.ge [sflag:s17], $0x4000  }
0x23: {  	s20 =	sor.u32 s21, s20;
	s19 =	simm.s32 $0x100;
	[sflag:s17] =	ssyncset.done $0x0  }
.LBB2_2:
0x24: {  	s20 =	sshrl.u32 s20, $0x3  }
0x25: {  	[sflag:s17] =	ssyncadd.s32 $0xFFFFC000;
	s21 =	smov.u32 s19;
	s22 =	sadd.s32 $0x80, s19  }
0x26: {  	p0 =	sne.s32 s19, $0x2700;
	s19 =	sadd.s32 s2, s20  }
0x27: {  	[tilespmem:s4], [sflag:$0x3] =	stream.linear.gather [hbm4b:s19+s4], $0x80, $0x38;
	[tilespmem:$0x18100] =	vst v63  }
0x28: {  	_ =	swait.ge [sflag:s13], $0x80  }
0x29: {  	[sflag:s13] =	ssyncset.done $0x0  }
0x2a: {  	s19 =	sadd.s32 s6, s20;
	[sflag:s13] =	ssyncadd.s32 $0xFFFFFF80  }
0x2b: {  	[tilespmem:s14], [sflag:$0x3] =	stream.linear.gather [hbm4b:s19+s4], $0x80, $0x38;
	[tilespmem:$0x18100] =	vst v63  }
0x2c: {  	_ =	swait.ge [sflag:s13], $0x80  }
0x2d: {  	[sflag:s13] =	ssyncset.done $0x0  }
0x2e: {  	[sflag:s13] =	ssyncadd.s32 $0xFFFFFF80  }
0x2f: {  	[tilespmem:s15], [sflag:$0x1] =	stream.indirect.gather [hbm4b:s5+s14], $0x80, s4, s14, $0xb8;
	[tilespmem:$0x18100] =	vst v63  }
0x30: {  	_ =	swait.ge [sflag:s16], $0x4000  }
.Ltmp0:
0x31: {  	[sflag:s16] =	ssyncset.done $0x0;
	(pc) =	sbr.rel @p0 .LBB2_2-.Ltmp0, $4  }
0x32: {  	s19 =	sand.u32 $0x3C00, s21;
	[sflag:s16] =	ssyncadd.s32 $0xFFFFC000  }
0x33: {  	[spmem:s3] =	stream.indirect.scatter.add.f32 [tilespmem:s15], [sflag:$0x2], $0x80, s14, s14, $0xb8;
	[tilespmem:$0x18100] =	vst v63  }
0x34: {  	s20 =	sand.u32 $0x380, s21;
	s19 =	sadd.s32 s19, s7;
	_ =	swait.ge [sflag:s17], $0x4000  }
0x35: {  	s20 =	sor.u32 s20, s19;
	s19 =	smov.u32 s22;
	[sflag:s17] =	ssyncset.done $0x0  }
0x36: {  	s19 =	sshrl.u32 s20, $0x3  }
0x37: {  	[sflag:s17] =	ssyncadd.s32 $0xFFFFC000;
	s20 =	sadd.s32 s2, s19  }
0x38: {  	[tilespmem:s4], [sflag:$0x3] =	stream.linear.gather [hbm4b:s20+s4], $0x80, $0x38;
	[tilespmem:$0x18100] =	vst v63  }
0x39: {  	_ =	swait.ge [sflag:s13], $0x80  }
0x3a: {  	[sflag:s13] =	ssyncset.done $0x0  }
0x3b: {  	s19 =	sadd.s32 s6, s19;
	[sflag:s13] =	ssyncadd.s32 $0xFFFFFF80  }
0x3c: {  	[tilespmem:s14], [sflag:$0x3] =	stream.linear.gather [hbm4b:s19+s4], $0x80, $0x38;
	[tilespmem:$0x18100] =	vst v63  }
0x3d: {  	_ =	swait.ge [sflag:s13], $0x80  }
0x3e: {  	[sflag:s13] =	ssyncset.done $0x0  }
0x3f: {  	[sflag:s13] =	ssyncadd.s32 $0xFFFFFF80  }
0x40: {  	[tilespmem:s15], [sflag:$0x1] =	stream.indirect.gather [hbm4b:s5+s14], $0x80, s4, s14, $0xb8;
	[tilespmem:$0x18100] =	vst v63  }
0x41: {  	_ =	swait.ge [sflag:s16], $0x4000  }
0x42: {  	[sflag:s16] =	ssyncset.done $0x0  }
0x43: {  	[sflag:s16] =	ssyncadd.s32 $0xFFFFC000  }
0x44: {  	[spmem:s3] =	stream.indirect.scatter.add.f32 [tilespmem:s15], [sflag:$0x2], $0x80, s14, s14, $0xb8;
	[tilespmem:$0x18100] =	vst v63  }
0x45: {  	_ =	swait.ge [sflag:s17], $0x4000  }
0x46: {  	s18 =	sadd.s32 $0x1, s18;
	[sflag:s17] =	ssyncset.done $0x0  }
0x47: {  	p0 =	sne.s32 s18, s11;
	[sflag:s17] =	ssyncadd.s32 $0xFFFFC000  }
.Ltmp1:
0x48: {  	[bflag:$0x0] =	sbarrier.arrive $0xFFFF;
	(pc) =	sbr.rel @p0 .LBB2_1-.Ltmp1, $4  }
0x49: {  	[hbm:s10], [sflag:s9] =	dma.local [spmem:s12], $0x2800  }
0x4a: {  	_ =	swait.ge [sflag:s13], $0x2800  }
0x4b: {  	[sflag:s13] =	ssyncset.done $0x0  }
0x4c: {  	[sflag:s13] =	ssyncadd.s32 $0xFFFFD800  }
0x4d: {  	_ =	sfence.sel $0x180000  }
0x4e: {  	[bflag:$0x0] =	sbarrier.arrive $0xFFFF  }
0x4f: {  	p0 =	sne.s32 s1, $0x0;
	_ =	strace $0x9000004A  }
0x50: {  	s0 =	sadd.s32 @!p0 $0x100000, s0;
	[bflag:$0x2] =	sbarrier.arrive $0xFFFF  }
0x51: {  	[sflag:s0] =	ssyncadd.tile.s32 @!p0 $0x1;
	_ =	shalt  }
.Lfunc_end2:
_tile_overlayer_lowered:
.L_overlay_start_2:
0x52: {  	(tag) =	ssettag $0x2  }
0x53: {  	s0 =	rddreg [dreg:$0x0];
	s2 =	stileid.u32  }
0x54: {  	s1 =	rddreg [dreg:$0x1];
	p0 =	sne.s32 s2, $0x0  }
0x55: {  	s3 =	rddreg [dreg:$0x2];
	[bflag:$0x3] =	sbarrier.arrive $0xFFFF;
	s2 =	simm.s32 @!p0 $0x1C03  }
0x56: {  	[timem:s3], [sflag:s2] =	dma.local @!p0 [hbm:s0], s1  }
0x57: {  	s0 =	simm.s32 @!p0 $0x3  }
0x58: {  	_ =	swait.ge @!p0 [sflag:s0], s1  }
0x59: {  	s1 =	ssub.s32 @!p0 $0x0, s1;
	[sflag:s0] =	ssyncset.done @!p0 $0x0  }
0x5a: {  	[sflag:s0] =	ssyncadd.s32 @!p0 s1  }
0x5b: {  	[bflag:$0x3] =	sbarrier.arrive $0xFFFF  }
0x5c: {  	_ =	shalt  }

</sc_bundles>
